<compile_context>
chip_gen: v7x
topology: tpu7x:2x2x1
jax: 0.10.2.dev20260603
libtpu: 0.0.44.dev20260713+nightly
codegen_flags: <defaults>
</compile_context>

<pallas_src>
import functools

import jax
import jax.numpy as jnp
from jax import lax
from jax.experimental import pallas as pl
from jax.experimental.pallas import tpu as pltpu
from jax.experimental.pallas import tpu_sc as plsc

_T = 20
_L = 8
_D = 64
_BT = 2048
_G = 32
_GW = _G // 2


def _sc_gather_body(table_hbm, out_hbm, rows_v):
    wid = lax.axis_index("c") * 16 + lax.axis_index("s")

    @pl.when(wid == 0)
    def _():
        pltpu.sync_copy(table_hbm.at[pl.ds(0, _G)], rows_v)
        pltpu.sync_copy(rows_v, out_hbm)


def _gather_rows(emb_table):
    mesh = plsc.VectorSubcoreMesh(core_axis_name="c", subcore_axis_name="s")
    k = functools.partial(
        pl.kernel,
        out_type=jax.ShapeDtypeStruct((_G, _D), jnp.float32),
        mesh=mesh,
        scratch_types=[
            pltpu.VMEM((_G, _D), jnp.float32),
        ],
    )(_sc_gather_body)
    return k(emb_table)


def _tc_body(prog_ref, s_ref, wcat_ref, emb_ref, out_ref, tr_ref):
    prog = prog_ref[...]
    sel = jax.nn.softmax(prog, axis=-1)
    wcat = wcat_ref[...]
    bias = jnp.dot(emb_ref[0:_T, :], wcat,
                   preferred_element_type=jnp.float32)
    lane_l = jax.lax.broadcasted_iota(jnp.int32, (1, _L * _D), 1) // _D
    selw = jnp.zeros((_T, _L * _D), dtype=jnp.float32)
    for l in range(_L):
        selw = jnp.where(lane_l == l, sel[:, l:l + 1], selw)
    cur = s_ref[...]
    for i in range(_T):
        y = jnp.tanh(
            jnp.dot(cur, wcat, preferred_element_type=jnp.float32)
            + bias[i:i + 1, :])
        yw = y * selw[i:i + 1, :]
        a = yw[:, 0:256] + yw[:, 256:512]
        a = a[:, 0:128] + a[:, 128:256]
        cur = a[:, 0:64] + a[:, 64:128]
    out_ref[...] = cur
    tr_ref[...] = prog


def kernel(s, prog, lib_W, emb_table):
    B = s.shape[0]
    rows = _gather_rows(emb_table)
    wcat = jnp.transpose(lib_W, (1, 0, 2)).reshape(_D, _L * _D)
    grid = (B // _BT,)
    out, trace = pl.pallas_call(
        _tc_body,
        grid=grid,
        in_specs=[
            pl.BlockSpec((_T, _L), lambda t: (0, 0)),
            pl.BlockSpec((_BT, _D), lambda t: (t, 0)),
            pl.BlockSpec((_D, _L * _D), lambda t: (0, 0)),
            pl.BlockSpec((_G, _D), lambda t: (0, 0)),
        ],
        out_specs=[
            pl.BlockSpec((_BT, _D), lambda t: (t, 0)),
            pl.BlockSpec((_T, _L), lambda t: (0, 0)),
        ],
        out_shape=[
            jax.ShapeDtypeStruct((B, _D), jnp.float32),
            jax.ShapeDtypeStruct((_T, _L), jnp.float32),
        ],
        compiler_params=pltpu.CompilerParams(
            dimension_semantics=("parallel",),
        ),
    )(prog, s, wcat, rows)
    return (out, trace)

# --- scband reference (transcript-rebuilt; emitter-appended) ---
"""Pipeline reference for scband-executor-51445118272163 (READ-ONLY COPY).

The authoritative reference and input builder live on the scoring server;
editing this copy changes nothing except your own understanding.
"""

import jax, jax.numpy as jnp
import numpy as np


def setup_inputs(seed: int = 0) -> dict:
    key = jax.random.key(seed)
    k1, k2, k3, k4 = jax.random.split(key, 4)
    # forward args per input_specs
    s = jax.random.normal(k1, (16384, 64), dtype=jnp.float32)
    prog = jax.random.normal(k2, (20, 8), dtype=jnp.float32)  # soft selector logits over L=8 library ops per step
    # lib: soft-apply library materialized as L linear operators (lib.apply_soft(sel, x) = softmax(sel)-weighted mixture)
    lib_W = jax.random.normal(k3, (8, 64, 64), dtype=jnp.float32) * (1.0 / np.sqrt(64.0))
    # learned parameter: nn.Embedding(ms=100000, sd=64) table (step-position embedding)
    emb_table = jax.random.normal(k4, (100000, 64), dtype=jnp.float32) * 0.02
    return {"s": s, "prog": prog, "lib_W": lib_W, "emb_table": emb_table}


def reference(s, prog, lib_W, emb_table):
    # Faithful translation of Executor.forward:
    #   for i, sel in enumerate(prog):
    #       s = lib.apply_soft(sel, s + self.emb(i)); tr.append(sel.detach())
    T = prog.shape[0]
    step_ids = jnp.arange(T)  # int constants: indices into the embedding table
    trace = []
    cur = s
    for i in range(T):
        pos_emb = jnp.take(emb_table, step_ids[i], axis=0)  # embedding gather emb(i)
        x = cur + pos_emb[None, :]
        sel = jax.nn.softmax(prog[i])  # soft selection over library ops
        y = jnp.tanh(jnp.einsum('bd,lde->ble', x, lib_W))  # apply every library op
        cur = jnp.einsum('l,ble->be', sel, y)  # soft mixture = apply_soft
        trace.append(jax.lax.stop_gradient(prog[i]))  # sel.detach()
    return (cur, jnp.stack(trace))

if __name__ == "__main__":
    import jax
    _d = setup_inputs()
    print(jax.jit(kernel)(*tuple(_d.values())))

</pallas_src>

<mosaic_0001>
#map = affine_map<(d0, d1) -> (0, 0)>
module attributes {stable_mosaic.version = 14 : i64} {
  func.func @_sc_gather_body(%arg0: i32, %arg1: i32, %arg2: memref<100000x64xf32, #tpu.memory_space<hbm>>, %arg3: memref<32x64xf32, #tpu.memory_space<hbm>>, %arg4: memref<32x64xf32, #tpu.memory_space<vmem>>) attributes {dimension_semantics = [#tpu.dimension_semantics<core_parallel>, #tpu.dimension_semantics<subcore_parallel>], iteration_bounds = array<i64: 2, 16>, scalar_prefetch = 0 : i64, scratch_operands = 1 : i64, tpu.core_type = #tpu.core_type<sc_vector_subcore>, window_params = [{transform_indices = #map}, {transform_indices = #map}]} {
    %mul3A = arith.constant 16 : i32
    %mul3A_0 = arith.muli %arg0, %mul3A : i32
    %add3A = arith.addi %mul3A_0, %arg1 : i32
    %eq3A = arith.constant 0 : i32
    %eq3A_1 = arith.cmpi eq, %add3A, %eq3A : i32
    %convert_element_type3A = arith.extui %eq3A_1 : i1 to i32
    %cond3A = arith.constant 0 : i32
    %cond3A_2 = arith.cmpi ne, %convert_element_type3A, %cond3A : i32
    scf.if %cond3A_2 {
      "tpu.region"() ({
        %run_scoped3A = tpu.sem_alloc : memref<!tpu.dma_semaphore, #tpu.memory_space<semaphore_mem>>
        %dma_start3A = arith.constant 0 : i32
        %dma_start3A_3 = arith.constant 0 : i32
        %dma_start3A_4 = tpu.memref_slice %arg2[%dma_start3A, %dma_start3A_3] : memref<100000x64xf32, #tpu.memory_space<hbm>> -> memref<32x64xf32, #tpu.memory_space<hbm>>
        %dma_start3A_5 = arith.constant 0 : i32
        %dma_start3A_6 = arith.constant 0 : i32
        %dma_start3A_7 = tpu.memref_slice %arg2[%dma_start3A_5, %dma_start3A_6] : memref<100000x64xf32, #tpu.memory_space<hbm>> -> memref<32x64xf32, #tpu.memory_space<hbm>>
        tpu.enqueue_dma source(%dma_start3A_7 : memref<32x64xf32, #tpu.memory_space<hbm>>) target(%arg4 : memref<32x64xf32, #tpu.memory_space<vmem>>) target_semaphore(%run_scoped3A : memref<!tpu.dma_semaphore, #tpu.memory_space<semaphore_mem>>)
        %dma_wait3A = arith.constant 0 : i32
        %dma_wait3A_8 = arith.constant 0 : i32
        %dma_wait3A_9 = tpu.memref_slice %arg2[%dma_wait3A, %dma_wait3A_8] : memref<100000x64xf32, #tpu.memory_space<hbm>> -> memref<32x64xf32, #tpu.memory_space<hbm>>
        %dma_wait3A_10 = arith.constant 0 : i32
        %dma_wait3A_11 = arith.constant 0 : i32
        %dma_wait3A_12 = tpu.memref_slice %arg2[%dma_wait3A_10, %dma_wait3A_11] : memref<100000x64xf32, #tpu.memory_space<hbm>> -> memref<32x64xf32, #tpu.memory_space<hbm>>
        tpu.wait_dma2 semaphore(%run_scoped3A : memref<!tpu.dma_semaphore, #tpu.memory_space<semaphore_mem>>) src(%dma_wait3A_12 : memref<32x64xf32, #tpu.memory_space<hbm>>) dst(%arg4 : memref<32x64xf32, #tpu.memory_space<vmem>>)
        tpu.yield
      }) : () -> ()
      "tpu.region"() ({
        %run_scoped3A = tpu.sem_alloc : memref<!tpu.dma_semaphore, #tpu.memory_space<semaphore_mem>>
        tpu.enqueue_dma source(%arg4 : memref<32x64xf32, #tpu.memory_space<vmem>>) target(%arg3 : memref<32x64xf32, #tpu.memory_space<hbm>>) target_semaphore(%run_scoped3A : memref<!tpu.dma_semaphore, #tpu.memory_space<semaphore_mem>>)
        tpu.wait_dma2 semaphore(%run_scoped3A : memref<!tpu.dma_semaphore, #tpu.memory_space<semaphore_mem>>) src(%arg4 : memref<32x64xf32, #tpu.memory_space<vmem>>) dst(%arg3 : memref<32x64xf32, #tpu.memory_space<hbm>>)
        tpu.yield
      }) : () -> ()
    } else {
    }
    return
  }
}

module attributes {stable_mosaic.version = 14 : i64} {
  func.func @_tc_body(%arg0: i32, %arg1: memref<20x8xf32, #tpu.memory_space<vmem>>, %arg2: memref<2048x64xf32, #tpu.memory_space<vmem>>, %arg3: memref<64x512xf32, #tpu.memory_space<vmem>>, %arg4: memref<32x64xf32, #tpu.memory_space<vmem>>, %arg5: memref<2048x64xf32, #tpu.memory_space<vmem>>, %arg6: memref<20x8xf32, #tpu.memory_space<vmem>>) attributes {dimension_semantics = [#tpu.dimension_semantics<parallel>], iteration_bounds = array<i64: 8>, scalar_prefetch = 0 : i64, scratch_operands = 0 : i64, tpu.core_type = #tpu.core_type<tc>, window_params = [{pipeline_mode = #tpu.pipeline_mode<synchronous>, transform_indices = @transform_0, window_bounds = array<i64: 20, 8>}, {transform_indices = @transform_1, window_bounds = array<i64: 2048, 64>}, {pipeline_mode = #tpu.pipeline_mode<synchronous>, transform_indices = @transform_2, window_bounds = array<i64: 64, 512>}, {pipeline_mode = #tpu.pipeline_mode<synchronous>, transform_indices = @transform_3, window_bounds = array<i64: 32, 64>}, {transform_indices = @transform_4, window_bounds = array<i64: 2048, 64>}, {pipeline_mode = #tpu.pipeline_mode<synchronous>, transform_indices = @transform_5, window_bounds = array<i64: 20, 8>}]} {
    %get3A = arith.constant 0 : index
    %get3A_0 = arith.constant 0 : index
    %get3A_1 = vector.load %arg1[%get3A, %get3A_0] : memref<20x8xf32, #tpu.memory_space<vmem>>, vector<20x8xf32>
    %reduce_max3A = arith.constant dense<0xFF800000> : vector<20xf32>
    %reduce_max3A_2 = vector.multi_reduction <maximumf>, %get3A_1, %reduce_max3A [1] : vector<20x8xf32> to vector<20xf32>
    %max3A = arith.constant 0xFF800000 : f32
    %max3A_3 = vector.broadcast %max3A : f32 to vector<20xf32>
    %max3A_4 = arith.maximumf %max3A_3, %reduce_max3A_2 : vector<20xf32>
    %broadcast_in_dim3A = vector.shape_cast %max3A_4 : vector<20xf32> to vector<20x1xf32>
    %sub3A = vector.broadcast %broadcast_in_dim3A : vector<20x1xf32> to vector<20x8xf32>
    %sub3A_5 = arith.subf %get3A_1, %sub3A : vector<20x8xf32>
    %exp3A = math.exp %sub3A_5 : vector<20x8xf32>
    %reduce_sum3A = arith.constant dense<0.000000e+00> : vector<20xf32>
    %reduce_sum3A_6 = vector.multi_reduction <add>, %exp3A, %reduce_sum3A [1] : vector<20x8xf32> to vector<20xf32>
    %broadcast_in_dim3A_7 = vector.shape_cast %reduce_sum3A_6 : vector<20xf32> to vector<20x1xf32>
    %div3A = vector.broadcast %broadcast_in_dim3A_7 : vector<20x1xf32> to vector<20x8xf32>
    %div3A_8 = arith.divf %exp3A, %div3A : vector<20x8xf32>
    %get3A_9 = arith.constant 0 : index
    %get3A_10 = arith.constant 0 : index
    %get3A_11 = vector.load %arg3[%get3A_9, %get3A_10] : memref<64x512xf32, #tpu.memory_space<vmem>>, vector<64x512xf32>
    %get3A_12 = arith.constant 0 : index
    %get3A_13 = arith.constant 0 : index
    %get3A_14 = vector.load %arg4[%get3A_12, %get3A_13] : memref<32x64xf32, #tpu.memory_space<vmem>>, vector<20x64xf32>
    %dot_general3A = arith.constant dense<0.000000e+00> : vector<20x512xf32>
    %dot_general3A_15 = tpu.matmul %get3A_14, %get3A_11, %dot_general3A {dimension_numbers = #tpu.dot_dimension_numbers<[1], [0], [0], [1], [0, 0, 1, 1], [], []>, transpose_lhs_hint = false} : vector<20x64xf32>, vector<64x512xf32>, vector<20x512xf32> -> vector<20x512xf32>
    %iota3A = tpu.iota {dimensions = array<i32: 1>} : vector<1x512xi32>
    %jit3A = arith.constant 64 : i32
    %div3A_16 = vector.broadcast %jit3A : i32 to vector<1x512xi32>
    %div3A_17 = arith.divsi %iota3A, %div3A_16 : vector<1x512xi32>
    %sign3A = arith.constant 0 : i32
    %sign3A_18 = vector.broadcast %sign3A : i32 to vector<1x512xi32>
    %sign3A_19 = arith.cmpi sgt, %iota3A, %sign3A_18 : vector<1x512xi32>
    %sign3A_20 = arith.extui %sign3A_19 : vector<1x512xi1> to vector<1x512xi32>
    %sign3A_21 = arith.constant 0 : i32
    %sign3A_22 = vector.broadcast %sign3A_21 : i32 to vector<1x512xi32>
    %sign3A_23 = arith.cmpi slt, %iota3A, %sign3A_22 : vector<1x512xi32>
    %sign3A_24 = arith.extui %sign3A_23 : vector<1x512xi1> to vector<1x512xi32>
    %sign3A_25 = arith.subi %sign3A_20, %sign3A_24 : vector<1x512xi32>
    %sign3A_26 = arith.constant 0 : i32
    %sign3A_27 = arith.cmpi sgt, %jit3A, %sign3A_26 : i32
    %sign3A_28 = arith.extui %sign3A_27 : i1 to i32
    %sign3A_29 = arith.constant 0 : i32
    %sign3A_30 = arith.cmpi slt, %jit3A, %sign3A_29 : i32
    %sign3A_31 = arith.extui %sign3A_30 : i1 to i32
    %sign3A_32 = arith.subi %sign3A_28, %sign3A_31 : i32
    %ne3A = vector.broadcast %sign3A_32 : i32 to vector<1x512xi32>
    %ne3A_33 = arith.cmpi ne, %sign3A_25, %ne3A : vector<1x512xi32>
    %rem3A = vector.broadcast %jit3A : i32 to vector<1x512xi32>
    %rem3A_34 = arith.remsi %iota3A, %rem3A : vector<1x512xi32>
    %ne3A_35 = arith.constant 0 : i32
    %ne3A_36 = vector.broadcast %ne3A_35 : i32 to vector<1x512xi32>
    %ne3A_37 = arith.cmpi ne, %rem3A_34, %ne3A_36 : vector<1x512xi32>
    %and3A = arith.andi %ne3A_33, %ne3A_37 : vector<1x512xi1>
    %sub3A_38 = arith.constant 1 : i32
    %sub3A_39 = vector.broadcast %sub3A_38 : i32 to vector<1x512xi32>
    %sub3A_40 = arith.subi %div3A_17, %sub3A_39 : vector<1x512xi32>
    %select_n3A = arith.select %and3A, %sub3A_40, %div3A_17 : vector<1x512xi1>, vector<1x512xi32>
    %broadcast_in_dim3A_41 = arith.constant 0.000000e+00 : f32
    %broadcast_in_dim3A_42 = vector.broadcast %broadcast_in_dim3A_41 : f32 to vector<20x512xf32>
    %eq3A = arith.constant 0 : i32
    %eq3A_43 = vector.broadcast %eq3A : i32 to vector<1x512xi32>
    %eq3A_44 = arith.cmpi eq, %select_n3A, %eq3A_43 : vector<1x512xi32>
    %slice3A = vector.extract_strided_slice %div3A_8 {offsets = [0, 0], sizes = [20, 1], strides = [1, 1]} : vector<20x8xf32> to vector<20x1xf32>
    %broadcast_in_dim3A_45 = vector.shape_cast %eq3A_44 : vector<1x512xi1> to vector<1x512xi1>
    %broadcast_in_dim3A_46 = vector.broadcast %broadcast_in_dim3A_45 : vector<1x512xi1> to vector<20x512xi1>
    %broadcast_in_dim3A_47 = vector.shape_cast %slice3A : vector<20x1xf32> to vector<20x1xf32>
    %broadcast_in_dim3A_48 = vector.broadcast %broadcast_in_dim3A_47 : vector<20x1xf32> to vector<20x512xf32>
    %select_n3A_49 = arith.select %broadcast_in_dim3A_46, %broadcast_in_dim3A_48, %broadcast_in_dim3A_42 : vector<20x512xi1>, vector<20x512xf32>
    %eq3A_50 = arith.constant 1 : i32
    %eq3A_51 = vector.broadcast %eq3A_50 : i32 to vector<1x512xi32>
    %eq3A_52 = arith.cmpi eq, %select_n3A, %eq3A_51 : vector<1x512xi32>
    %slice3A_53 = vector.extract_strided_slice %div3A_8 {offsets = [0, 1], sizes = [20, 1], strides = [1, 1]} : vector<20x8xf32> to vector<20x1xf32>
    %broadcast_in_dim3A_54 = vector.shape_cast %eq3A_52 : vector<1x512xi1> to vector<1x512xi1>
    %broadcast_in_dim3A_55 = vector.broadcast %broadcast_in_dim3A_54 : vector<1x512xi1> to vector<20x512xi1>
    %broadcast_in_dim3A_56 = vector.shape_cast %slice3A_53 : vector<20x1xf32> to vector<20x1xf32>
    %broadcast_in_dim3A_57 = vector.broadcast %broadcast_in_dim3A_56 : vector<20x1xf32> to vector<20x512xf32>
    %select_n3A_58 = arith.select %broadcast_in_dim3A_55, %broadcast_in_dim3A_57, %select_n3A_49 : vector<20x512xi1>, vector<20x512xf32>
    %eq3A_59 = arith.constant 2 : i32
    %eq3A_60 = vector.broadcast %eq3A_59 : i32 to vector<1x512xi32>
    %eq3A_61 = arith.cmpi eq, %select_n3A, %eq3A_60 : vector<1x512xi32>
    %slice3A_62 = vector.extract_strided_slice %div3A_8 {offsets = [0, 2], sizes = [20, 1], strides = [1, 1]} : vector<20x8xf32> to vector<20x1xf32>
    %broadcast_in_dim3A_63 = vector.shape_cast %eq3A_61 : vector<1x512xi1> to vector<1x512xi1>
    %broadcast_in_dim3A_64 = vector.broadcast %broadcast_in_dim3A_63 : vector<1x512xi1> to vector<20x512xi1>
    %broadcast_in_dim3A_65 = vector.shape_cast %slice3A_62 : vector<20x1xf32> to vector<20x1xf32>
    %broadcast_in_dim3A_66 = vector.broadcast %broadcast_in_dim3A_65 : vector<20x1xf32> to vector<20x512xf32>
    %select_n3A_67 = arith.select %broadcast_in_dim3A_64, %broadcast_in_dim3A_66, %select_n3A_58 : vector<20x512xi1>, vector<20x512xf32>
    %eq3A_68 = arith.constant 3 : i32
    %eq3A_69 = vector.broadcast %eq3A_68 : i32 to vector<1x512xi32>
    %eq3A_70 = arith.cmpi eq, %select_n3A, %eq3A_69 : vector<1x512xi32>
    %slice3A_71 = vector.extract_strided_slice %div3A_8 {offsets = [0, 3], sizes = [20, 1], strides = [1, 1]} : vector<20x8xf32> to vector<20x1xf32>
    %broadcast_in_dim3A_72 = vector.shape_cast %eq3A_70 : vector<1x512xi1> to vector<1x512xi1>
    %broadcast_in_dim3A_73 = vector.broadcast %broadcast_in_dim3A_72 : vector<1x512xi1> to vector<20x512xi1>
    %broadcast_in_dim3A_74 = vector.shape_cast %slice3A_71 : vector<20x1xf32> to vector<20x1xf32>
    %broadcast_in_dim3A_75 = vector.broadcast %broadcast_in_dim3A_74 : vector<20x1xf32> to vector<20x512xf32>
    %select_n3A_76 = arith.select %broadcast_in_dim3A_73, %broadcast_in_dim3A_75, %select_n3A_67 : vector<20x512xi1>, vector<20x512xf32>
    %eq3A_77 = arith.constant 4 : i32
    %eq3A_78 = vector.broadcast %eq3A_77 : i32 to vector<1x512xi32>
    %eq3A_79 = arith.cmpi eq, %select_n3A, %eq3A_78 : vector<1x512xi32>
    %slice3A_80 = vector.extract_strided_slice %div3A_8 {offsets = [0, 4], sizes = [20, 1], strides = [1, 1]} : vector<20x8xf32> to vector<20x1xf32>
    %broadcast_in_dim3A_81 = vector.shape_cast %eq3A_79 : vector<1x512xi1> to vector<1x512xi1>
    %broadcast_in_dim3A_82 = vector.broadcast %broadcast_in_dim3A_81 : vector<1x512xi1> to vector<20x512xi1>
    %broadcast_in_dim3A_83 = vector.shape_cast %slice3A_80 : vector<20x1xf32> to vector<20x1xf32>
    %broadcast_in_dim3A_84 = vector.broadcast %broadcast_in_dim3A_83 : vector<20x1xf32> to vector<20x512xf32>
    %select_n3A_85 = arith.select %broadcast_in_dim3A_82, %broadcast_in_dim3A_84, %select_n3A_76 : vector<20x512xi1>, vector<20x512xf32>
    %eq3A_86 = arith.constant 5 : i32
    %eq3A_87 = vector.broadcast %eq3A_86 : i32 to vector<1x512xi32>
    %eq3A_88 = arith.cmpi eq, %select_n3A, %eq3A_87 : vector<1x512xi32>
    %slice3A_89 = vector.extract_strided_slice %div3A_8 {offsets = [0, 5], sizes = [20, 1], strides = [1, 1]} : vector<20x8xf32> to vector<20x1xf32>
    %broadcast_in_dim3A_90 = vector.shape_cast %eq3A_88 : vector<1x512xi1> to vector<1x512xi1>
    %broadcast_in_dim3A_91 = vector.broadcast %broadcast_in_dim3A_90 : vector<1x512xi1> to vector<20x512xi1>
    %broadcast_in_dim3A_92 = vector.shape_cast %slice3A_89 : vector<20x1xf32> to vector<20x1xf32>
    %broadcast_in_dim3A_93 = vector.broadcast %broadcast_in_dim3A_92 : vector<20x1xf32> to vector<20x512xf32>
    %select_n3A_94 = arith.select %broadcast_in_dim3A_91, %broadcast_in_dim3A_93, %select_n3A_85 : vector<20x512xi1>, vector<20x512xf32>
    %eq3A_95 = arith.constant 6 : i32
    %eq3A_96 = vector.broadcast %eq3A_95 : i32 to vector<1x512xi32>
    %eq3A_97 = arith.cmpi eq, %select_n3A, %eq3A_96 : vector<1x512xi32>
    %slice3A_98 = vector.extract_strided_slice %div3A_8 {offsets = [0, 6], sizes = [20, 1], strides = [1, 1]} : vector<20x8xf32> to vector<20x1xf32>
    %broadcast_in_dim3A_99 = vector.shape_cast %eq3A_97 : vector<1x512xi1> to vector<1x512xi1>
    %broadcast_in_dim3A_100 = vector.broadcast %broadcast_in_dim3A_99 : vector<1x512xi1> to vector<20x512xi1>
    %broadcast_in_dim3A_101 = vector.shape_cast %slice3A_98 : vector<20x1xf32> to vector<20x1xf32>
    %broadcast_in_dim3A_102 = vector.broadcast %broadcast_in_dim3A_101 : vector<20x1xf32> to vector<20x512xf32>
    %select_n3A_103 = arith.select %broadcast_in_dim3A_100, %broadcast_in_dim3A_102, %select_n3A_94 : vector<20x512xi1>, vector<20x512xf32>
    %eq3A_104 = arith.constant 7 : i32
    %eq3A_105 = vector.broadcast %eq3A_104 : i32 to vector<1x512xi32>
    %eq3A_106 = arith.cmpi eq, %select_n3A, %eq3A_105 : vector<1x512xi32>
    %slice3A_107 = vector.extract_strided_slice %div3A_8 {offsets = [0, 7], sizes = [20, 1], strides = [1, 1]} : vector<20x8xf32> to vector<20x1xf32>
    %broadcast_in_dim3A_108 = vector.shape_cast %eq3A_106 : vector<1x512xi1> to vector<1x512xi1>
    %broadcast_in_dim3A_109 = vector.broadcast %broadcast_in_dim3A_108 : vector<1x512xi1> to vector<20x512xi1>
    %broadcast_in_dim3A_110 = vector.shape_cast %slice3A_107 : vector<20x1xf32> to vector<20x1xf32>
    %broadcast_in_dim3A_111 = vector.broadcast %broadcast_in_dim3A_110 : vector<20x1xf32> to vector<20x512xf32>
    %select_n3A_112 = arith.select %broadcast_in_dim3A_109, %broadcast_in_dim3A_111, %select_n3A_103 : vector<20x512xi1>, vector<20x512xf32>
    %get3A_113 = arith.constant 0 : index
    %get3A_114 = arith.constant 0 : index
    %get3A_115 = vector.load %arg2[%get3A_113, %get3A_114] : memref<2048x64xf32, #tpu.memory_space<vmem>>, vector<2048x64xf32>
    %dot_general3A_116 = arith.constant dense<0.000000e+00> : vector<2048x512xf32>
    %dot_general3A_117 = tpu.matmul %get3A_115, %get3A_11, %dot_general3A_116 {dimension_numbers = #tpu.dot_dimension_numbers<[1], [0], [0], [1], [0, 0, 1, 1], [], []>, transpose_lhs_hint = false} : vector<2048x64xf32>, vector<64x512xf32>, vector<2048x512xf32> -> vector<2048x512xf32>
    %slice3A_118 = vector.extract_strided_slice %dot_general3A_15 {offsets = [0, 0], sizes = [1, 512], strides = [1, 1]} : vector<20x512xf32> to vector<1x512xf32>
    %add3A = vector.broadcast %slice3A_118 : vector<1x512xf32> to vector<2048x512xf32>
    %add3A_119 = arith.addf %dot_general3A_117, %add3A : vector<2048x512xf32>
    %tanh3A = math.tanh %add3A_119 : vector<2048x512xf32>
    %slice3A_120 = vector.extract_strided_slice %select_n3A_112 {offsets = [0, 0], sizes = [1, 512], strides = [1, 1]} : vector<20x512xf32> to vector<1x512xf32>
    %mul3A = vector.broadcast %slice3A_120 : vector<1x512xf32> to vector<2048x512xf32>
    %mul3A_121 = arith.mulf %tanh3A, %mul3A : vector<2048x512xf32>
    %slice3A_122 = vector.extract_strided_slice %mul3A_121 {offsets = [0, 0], sizes = [2048, 256], strides = [1, 1]} : vector<2048x512xf32> to vector<2048x256xf32>
    %slice3A_123 = vector.extract_strided_slice %mul3A_121 {offsets = [0, 256], sizes = [2048, 256], strides = [1, 1]} : vector<2048x512xf32> to vector<2048x256xf32>
    %add3A_124 = arith.addf %slice3A_122, %slice3A_123 : vector<2048x256xf32>
    %slice3A_125 = vector.extract_strided_slice %add3A_124 {offsets = [0, 0], sizes = [2048, 128], strides = [1, 1]} : vector<2048x256xf32> to vector<2048x128xf32>
    %slice3A_126 = vector.extract_strided_slice %add3A_124 {offsets = [0, 128], sizes = [2048, 128], strides = [1, 1]} : vector<2048x256xf32> to vector<2048x128xf32>
    %add3A_127 = arith.addf %slice3A_125, %slice3A_126 : vector<2048x128xf32>
    %slice3A_128 = vector.extract_strided_slice %add3A_127 {offsets = [0, 0], sizes = [2048, 64], strides = [1, 1]} : vector<2048x128xf32> to vector<2048x64xf32>
    %slice3A_129 = vector.extract_strided_slice %add3A_127 {offsets = [0, 64], sizes = [2048, 64], strides = [1, 1]} : vector<2048x128xf32> to vector<2048x64xf32>
    %add3A_130 = arith.addf %slice3A_128, %slice3A_129 : vector<2048x64xf32>
    %dot_general3A_131 = arith.constant dense<0.000000e+00> : vector<2048x512xf32>
    %dot_general3A_132 = tpu.matmul %add3A_130, %get3A_11, %dot_general3A_131 {dimension_numbers = #tpu.dot_dimension_numbers<[1], [0], [0], [1], [0, 0, 1, 1], [], []>, transpose_lhs_hint = false} : vector<2048x64xf32>, vector<64x512xf32>, vector<2048x512xf32> -> vector<2048x512xf32>
    %slice3A_133 = vector.extract_strided_slice %dot_general3A_15 {offsets = [1, 0], sizes = [1, 512], strides = [1, 1]} : vector<20x512xf32> to vector<1x512xf32>
    %add3A_134 = vector.broadcast %slice3A_133 : vector<1x512xf32> to vector<2048x512xf32>
    %add3A_135 = arith.addf %dot_general3A_132, %add3A_134 : vector<2048x512xf32>
    %tanh3A_136 = math.tanh %add3A_135 : vector<2048x512xf32>
    %slice3A_137 = vector.extract_strided_slice %select_n3A_112 {offsets = [1, 0], sizes = [1, 512], strides = [1, 1]} : vector<20x512xf32> to vector<1x512xf32>
    %mul3A_138 = vector.broadcast %slice3A_137 : vector<1x512xf32> to vector<2048x512xf32>
    %mul3A_139 = arith.mulf %tanh3A_136, %mul3A_138 : vector<2048x512xf32>
    %slice3A_140 = vector.extract_strided_slice %mul3A_139 {offsets = [0, 0], sizes = [2048, 256], strides = [1, 1]} : vector<2048x512xf32> to vector<2048x256xf32>
    %slice3A_141 = vector.extract_strided_slice %mul3A_139 {offsets = [0, 256], sizes = [2048, 256], strides = [1, 1]} : vector<2048x512xf32> to vector<2048x256xf32>
    %add3A_142 = arith.addf %slice3A_140, %slice3A_141 : vector<2048x256xf32>
    %slice3A_143 = vector.extract_strided_slice %add3A_142 {offsets = [0, 0], sizes = [2048, 128], strides = [1, 1]} : vector<2048x256xf32> to vector<2048x128xf32>
    %slice3A_144 = vector.extract_strided_slice %add3A_142 {offsets = [0, 128], sizes = [2048, 128], strides = [1, 1]} : vector<2048x256xf32> to vector<2048x128xf32>
    %add3A_145 = arith.addf %slice3A_143, %slice3A_144 : vector<2048x128xf32>
    %slice3A_146 = vector.extract_strided_slice %add3A_145 {offsets = [0, 0], sizes = [2048, 64], strides = [1, 1]} : vector<2048x128xf32> to vector<2048x64xf32>
    %slice3A_147 = vector.extract_strided_slice %add3A_145 {offsets = [0, 64], sizes = [2048, 64], strides = [1, 1]} : vector<2048x128xf32> to vector<2048x64xf32>
    %add3A_148 = arith.addf %slice3A_146, %slice3A_147 : vector<2048x64xf32>
    %dot_general3A_149 = arith.constant dense<0.000000e+00> : vector<2048x512xf32>
    %dot_general3A_150 = tpu.matmul %add3A_148, %get3A_11, %dot_general3A_149 {dimension_numbers = #tpu.dot_dimension_numbers<[1], [0], [0], [1], [0, 0, 1, 1], [], []>, transpose_lhs_hint = false} : vector<2048x64xf32>, vector<64x512xf32>, vector<2048x512xf32> -> vector<2048x512xf32>
    %slice3A_151 = vector.extract_strided_slice %dot_general3A_15 {offsets = [2, 0], sizes = [1, 512], strides = [1, 1]} : vector<20x512xf32> to vector<1x512xf32>
    %add3A_152 = vector.broadcast %slice3A_151 : vector<1x512xf32> to vector<2048x512xf32>
    %add3A_153 = arith.addf %dot_general3A_150, %add3A_152 : vector<2048x512xf32>
    %tanh3A_154 = math.tanh %add3A_153 : vector<2048x512xf32>
    %slice3A_155 = vector.extract_strided_slice %select_n3A_112 {offsets = [2, 0], sizes = [1, 512], strides = [1, 1]} : vector<20x512xf32> to vector<1x512xf32>
    %mul3A_156 = vector.broadcast %slice3A_155 : vector<1x512xf32> to vector<2048x512xf32>
    %mul3A_157 = arith.mulf %tanh3A_154, %mul3A_156 : vector<2048x512xf32>
    %slice3A_158 = vector.extract_strided_slice %mul3A_157 {offsets = [0, 0], sizes = [2048, 256], strides = [1, 1]} : vector<2048x512xf32> to vector<2048x256xf32>
    %slice3A_159 = vector.extract_strided_slice %mul3A_157 {offsets = [0, 256], sizes = [2048, 256], strides = [1, 1]} : vector<2048x512xf32> to vector<2048x256xf32>
    %add3A_160 = arith.addf %slice3A_158, %slice3A_159 : vector<2048x256xf32>
    %slice3A_161 = vector.extract_strided_slice %add3A_160 {offsets = [0, 0], sizes = [2048, 128], strides = [1, 1]} : vector<2048x256xf32> to vector<2048x128xf32>
    %slice3A_162 = vector.extract_strided_slice %add3A_160 {offsets = [0, 128], sizes = [2048, 128], strides = [1, 1]} : vector<2048x256xf32> to vector<2048x128xf32>
    %add3A_163 = arith.addf %slice3A_161, %slice3A_162 : vector<2048x128xf32>
    %slice3A_164 = vector.extract_strided_slice %add3A_163 {offsets = [0, 0], sizes = [2048, 64], strides = [1, 1]} : vector<2048x128xf32> to vector<2048x64xf32>
    %slice3A_165 = vector.extract_strided_slice %add3A_163 {offsets = [0, 64], sizes = [2048, 64], strides = [1, 1]} : vector<2048x128xf32> to vector<2048x64xf32>
    %add3A_166 = arith.addf %slice3A_164, %slice3A_165 : vector<2048x64xf32>
    %dot_general3A_167 = arith.constant dense<0.000000e+00> : vector<2048x512xf32>
    %dot_general3A_168 = tpu.matmul %add3A_166, %get3A_11, %dot_general3A_167 {dimension_numbers = #tpu.dot_dimension_numbers<[1], [0], [0], [1], [0, 0, 1, 1], [], []>, transpose_lhs_hint = false} : vector<2048x64xf32>, vector<64x512xf32>, vector<2048x512xf32> -> vector<2048x512xf32>
    %slice3A_169 = vector.extract_strided_slice %dot_general3A_15 {offsets = [3, 0], sizes = [1, 512], strides = [1, 1]} : vector<20x512xf32> to vector<1x512xf32>
    %add3A_170 = vector.broadcast %slice3A_169 : vector<1x512xf32> to vector<2048x512xf32>
    %add3A_171 = arith.addf %dot_general3A_168, %add3A_170 : vector<2048x512xf32>
    %tanh3A_172 = math.tanh %add3A_171 : vector<2048x512xf32>
    %slice3A_173 = vector.extract_strided_slice %select_n3A_112 {offsets = [3, 0], sizes = [1, 512], strides = [1, 1]} : vector<20x512xf32> to vector<1x512xf32>
    %mul3A_174 = vector.broadcast %slice3A_173 : vector<1x512xf32> to vector<2048x512xf32>
    %mul3A_175 = arith.mulf %tanh3A_172, %mul3A_174 : vector<2048x512xf32>
    %slice3A_176 = vector.extract_strided_slice %mul3A_175 {offsets = [0, 0], sizes = [2048, 256], strides = [1, 1]} : vector<2048x512xf32> to vector<2048x256xf32>
    %slice3A_177 = vector.extract_strided_slice %mul3A_175 {offsets = [0, 256], sizes = [2048, 256], strides = [1, 1]} : vector<2048x512xf32> to vector<2048x256xf32>
    %add3A_178 = arith.addf %slice3A_176, %slice3A_177 : vector<2048x256xf32>
    %slice3A_179 = vector.extract_strided_slice %add3A_178 {offsets = [0, 0], sizes = [2048, 128], strides = [1, 1]} : vector<2048x256xf32> to vector<2048x128xf32>
    %slice3A_180 = vector.extract_strided_slice %add3A_178 {offsets = [0, 128], sizes = [2048, 128], strides = [1, 1]} : vector<2048x256xf32> to vector<2048x128xf32>
    %add3A_181 = arith.addf %slice3A_179, %slice3A_180 : vector<2048x128xf32>
    %slice3A_182 = vector.extract_strided_slice %add3A_181 {offsets = [0, 0], sizes = [2048, 64], strides = [1, 1]} : vector<2048x128xf32> to vector<2048x64xf32>
    %slice3A_183 = vector.extract_strided_slice %add3A_181 {offsets = [0, 64], sizes = [2048, 64], strides = [1, 1]} : vector<2048x128xf32> to vector<2048x64xf32>
    %add3A_184 = arith.addf %slice3A_182, %slice3A_183 : vector<2048x64xf32>
    %dot_general3A_185 = arith.constant dense<0.000000e+00> : vector<2048x512xf32>
    %dot_general3A_186 = tpu.matmul %add3A_184, %get3A_11, %dot_general3A_185 {dimension_numbers = #tpu.dot_dimension_numbers<[1], [0], [0], [1], [0, 0, 1, 1], [], []>, transpose_lhs_hint = false} : vector<2048x64xf32>, vector<64x512xf32>, vector<2048x512xf32> -> vector<2048x512xf32>
    %slice3A_187 = vector.extract_strided_slice %dot_general3A_15 {offsets = [4, 0], sizes = [1, 512], strides = [1, 1]} : vector<20x512xf32> to vector<1x512xf32>
    %add3A_188 = vector.broadcast %slice3A_187 : vector<1x512xf32> to vector<2048x512xf32>
    %add3A_189 = arith.addf %dot_general3A_186, %add3A_188 : vector<2048x512xf32>
    %tanh3A_190 = math.tanh %add3A_189 : vector<2048x512xf32>
    %slice3A_191 = vector.extract_strided_slice %select_n3A_112 {offsets = [4, 0], sizes = [1, 512], strides = [1, 1]} : vector<20x512xf32> to vector<1x512xf32>
    %mul3A_192 = vector.broadcast %slice3A_191 : vector<1x512xf32> to vector<2048x512xf32>
    %mul3A_193 = arith.mulf %tanh3A_190, %mul3A_192 : vector<2048x512xf32>
    %slice3A_194 = vector.extract_strided_slice %mul3A_193 {offsets = [0, 0], sizes = [2048, 256], strides = [1, 1]} : vector<2048x512xf32> to vector<2048x256xf32>
    %slice3A_195 = vector.extract_strided_slice %mul3A_193 {offsets = [0, 256], sizes = [2048, 256], strides = [1, 1]} : vector<2048x512xf32> to vector<2048x256xf32>
    %add3A_196 = arith.addf %slice3A_194, %slice3A_195 : vector<2048x256xf32>
    %slice3A_197 = vector.extract_strided_slice %add3A_196 {offsets = [0, 0], sizes = [2048, 128], strides = [1, 1]} : vector<2048x256xf32> to vector<2048x128xf32>
    %slice3A_198 = vector.extract_strided_slice %add3A_196 {offsets = [0, 128], sizes = [2048, 128], strides = [1, 1]} : vector<2048x256xf32> to vector<2048x128xf32>
    %add3A_199 = arith.addf %slice3A_197, %slice3A_198 : vector<2048x128xf32>
    %slice3A_200 = vector.extract_strided_slice %add3A_199 {offsets = [0, 0], sizes = [2048, 64], strides = [1, 1]} : vector<2048x128xf32> to vector<2048x64xf32>
    %slice3A_201 = vector.extract_strided_slice %add3A_199 {offsets = [0, 64], sizes = [2048, 64], strides = [1, 1]} : vector<2048x128xf32> to vector<2048x64xf32>
    %add3A_202 = arith.addf %slice3A_200, %slice3A_201 : vector<2048x64xf32>
    %dot_general3A_203 = arith.constant dense<0.000000e+00> : vector<2048x512xf32>
    %dot_general3A_204 = tpu.matmul %add3A_202, %get3A_11, %dot_general3A_203 {dimension_numbers = #tpu.dot_dimension_numbers<[1], [0], [0], [1], [0, 0, 1, 1], [], []>, transpose_lhs_hint = false} : vector<2048x64xf32>, vector<64x512xf32>, vector<2048x512xf32> -> vector<2048x512xf32>
    %slice3A_205 = vector.extract_strided_slice %dot_general3A_15 {offsets = [5, 0], sizes = [1, 512], strides = [1, 1]} : vector<20x512xf32> to vector<1x512xf32>
    %add3A_206 = vector.broadcast %slice3A_205 : vector<1x512xf32> to vector<2048x512xf32>
    %add3A_207 = arith.addf %dot_general3A_204, %add3A_206 : vector<2048x512xf32>
    %tanh3A_208 = math.tanh %add3A_207 : vector<2048x512xf32>
    %slice3A_209 = vector.extract_strided_slice %select_n3A_112 {offsets = [5, 0], sizes = [1, 512], strides = [1, 1]} : vector<20x512xf32> to vector<1x512xf32>
    %mul3A_210 = vector.broadcast %slice3A_209 : vector<1x512xf32> to vector<2048x512xf32>
    %mul3A_211 = arith.mulf %tanh3A_208, %mul3A_210 : vector<2048x512xf32>
    %slice3A_212 = vector.extract_strided_slice %mul3A_211 {offsets = [0, 0], sizes = [2048, 256], strides = [1, 1]} : vector<2048x512xf32> to vector<2048x256xf32>
    %slice3A_213 = vector.extract_strided_slice %mul3A_211 {offsets = [0, 256], sizes = [2048, 256], strides = [1, 1]} : vector<2048x512xf32> to vector<2048x256xf32>
    %add3A_214 = arith.addf %slice3A_212, %slice3A_213 : vector<2048x256xf32>
    %slice3A_215 = vector.extract_strided_slice %add3A_214 {offsets = [0, 0], sizes = [2048, 128], strides = [1, 1]} : vector<2048x256xf32> to vector<2048x128xf32>
    %slice3A_216 = vector.extract_strided_slice %add3A_214 {offsets = [0, 128], sizes = [2048, 128], strides = [1, 1]} : vector<2048x256xf32> to vector<2048x128xf32>
    %add3A_217 = arith.addf %slice3A_215, %slice3A_216 : vector<2048x128xf32>
    %slice3A_218 = vector.extract_strided_slice %add3A_217 {offsets = [0, 0], sizes = [2048, 64], strides = [1, 1]} : vector<2048x128xf32> to vector<2048x64xf32>
    %slice3A_219 = vector.extract_strided_slice %add3A_217 {offsets = [0, 64], sizes = [2048, 64], strides = [1, 1]} : vector<2048x128xf32> to vector<2048x64xf32>
    %add3A_220 = arith.addf %slice3A_218, %slice3A_219 : vector<2048x64xf32>
    %dot_general3A_221 = arith.constant dense<0.000000e+00> : vector<2048x512xf32>
    %dot_general3A_222 = tpu.matmul %add3A_220, %get3A_11, %dot_general3A_221 {dimension_numbers = #tpu.dot_dimension_numbers<[1], [0], [0], [1], [0, 0, 1, 1], [], []>, transpose_lhs_hint = false} : vector<2048x64xf32>, vector<64x512xf32>, vector<2048x512xf32> -> vector<2048x512xf32>
    %slice3A_223 = vector.extract_strided_slice %dot_general3A_15 {offsets = [6, 0], sizes = [1, 512], strides = [1, 1]} : vector<20x512xf32> to vector<1x512xf32>
    %add3A_224 = vector.broadcast %slice3A_223 : vector<1x512xf32> to vector<2048x512xf32>
    %add3A_225 = arith.addf %dot_general3A_222, %add3A_224 : vector<2048x512xf32>
    %tanh3A_226 = math.tanh %add3A_225 : vector<2048x512xf32>
    %slice3A_227 = vector.extract_strided_slice %select_n3A_112 {offsets = [6, 0], sizes = [1, 512], strides = [1, 1]} : vector<20x512xf32> to vector<1x512xf32>
    %mul3A_228 = vector.broadcast %slice3A_227 : vector<1x512xf32> to vector<2048x512xf32>
    %mul3A_229 = arith.mulf %tanh3A_226, %mul3A_228 : vector<2048x512xf32>
    %slice3A_230 = vector.extract_strided_slice %mul3A_229 {offsets = [0, 0], sizes = [2048, 256], strides = [1, 1]} : vector<2048x512xf32> to vector<2048x256xf32>
    %slice3A_231 = vector.extract_strided_slice %mul3A_229 {offsets = [0, 256], sizes = [2048, 256], strides = [1, 1]} : vector<2048x512xf32> to vector<2048x256xf32>
    %add3A_232 = arith.addf %slice3A_230, %slice3A_231 : vector<2048x256xf32>
    %slice3A_233 = vector.extract_strided_slice %add3A_232 {offsets = [0, 0], sizes = [2048, 128], strides = [1, 1]} : vector<2048x256xf32> to vector<2048x128xf32>
    %slice3A_234 = vector.extract_strided_slice %add3A_232 {offsets = [0, 128], sizes = [2048, 128], strides = [1, 1]} : vector<2048x256xf32> to vector<2048x128xf32>
    %add3A_235 = arith.addf %slice3A_233, %slice3A_234 : vector<2048x128xf32>
    %slice3A_236 = vector.extract_strided_slice %add3A_235 {offsets = [0, 0], sizes = [2048, 64], strides = [1, 1]} : vector<2048x128xf32> to vector<2048x64xf32>
    %slice3A_237 = vector.extract_strided_slice %add3A_235 {offsets = [0, 64], sizes = [2048, 64], strides = [1, 1]} : vector<2048x128xf32> to vector<2048x64xf32>
    %add3A_238 = arith.addf %slice3A_236, %slice3A_237 : vector<2048x64xf32>
    %dot_general3A_239 = arith.constant dense<0.000000e+00> : vector<2048x512xf32>
    %dot_general3A_240 = tpu.matmul %add3A_238, %get3A_11, %dot_general3A_239 {dimension_numbers = #tpu.dot_dimension_numbers<[1], [0], [0], [1], [0, 0, 1, 1], [], []>, transpose_lhs_hint = false} : vector<2048x64xf32>, vector<64x512xf32>, vector<2048x512xf32> -> vector<2048x512xf32>
    %slice3A_241 = vector.extract_strided_slice %dot_general3A_15 {offsets = [7, 0], sizes = [1, 512], strides = [1, 1]} : vector<20x512xf32> to vector<1x512xf32>
    %add3A_242 = vector.broadcast %slice3A_241 : vector<1x512xf32> to vector<2048x512xf32>
    %add3A_243 = arith.addf %dot_general3A_240, %add3A_242 : vector<2048x512xf32>
    %tanh3A_244 = math.tanh %add3A_243 : vector<2048x512xf32>
    %slice3A_245 = vector.extract_strided_slice %select_n3A_112 {offsets = [7, 0], sizes = [1, 512], strides = [1, 1]} : vector<20x512xf32> to vector<1x512xf32>
    %mul3A_246 = vector.broadcast %slice3A_245 : vector<1x512xf32> to vector<2048x512xf32>
    %mul3A_247 = arith.mulf %tanh3A_244, %mul3A_246 : vector<2048x512xf32>
    %slice3A_248 = vector.extract_strided_slice %mul3A_247 {offsets = [0, 0], sizes = [2048, 256], strides = [1, 1]} : vector<2048x512xf32> to vector<2048x256xf32>
    %slice3A_249 = vector.extract_strided_slice %mul3A_247 {offsets = [0, 256], sizes = [2048, 256], strides = [1, 1]} : vector<2048x512xf32> to vector<2048x256xf32>
    %add3A_250 = arith.addf %slice3A_248, %slice3A_249 : vector<2048x256xf32>
    %slice3A_251 = vector.extract_strided_slice %add3A_250 {offsets = [0, 0], sizes = [2048, 128], strides = [1, 1]} : vector<2048x256xf32> to vector<2048x128xf32>
    %slice3A_252 = vector.extract_strided_slice %add3A_250 {offsets = [0, 128], sizes = [2048, 128], strides = [1, 1]} : vector<2048x256xf32> to vector<2048x128xf32>
    %add3A_253 = arith.addf %slice3A_251, %slice3A_252 : vector<2048x128xf32>
    %slice3A_254 = vector.extract_strided_slice %add3A_253 {offsets = [0, 0], sizes = [2048, 64], strides = [1, 1]} : vector<2048x128xf32> to vector<2048x64xf32>
    %slice3A_255 = vector.extract_strided_slice %add3A_253 {offsets = [0, 64], sizes = [2048, 64], strides = [1, 1]} : vector<2048x128xf32> to vector<2048x64xf32>
    %add3A_256 = arith.addf %slice3A_254, %slice3A_255 : vector<2048x64xf32>
    %dot_general3A_257 = arith.constant dense<0.000000e+00> : vector<2048x512xf32>
    %dot_general3A_258 = tpu.matmul %add3A_256, %get3A_11, %dot_general3A_257 {dimension_numbers = #tpu.dot_dimension_numbers<[1], [0], [0], [1], [0, 0, 1, 1], [], []>, transpose_lhs_hint = false} : vector<2048x64xf32>, vector<64x512xf32>, vector<2048x512xf32> -> vector<2048x512xf32>
    %slice3A_259 = vector.extract_strided_slice %dot_general3A_15 {offsets = [8, 0], sizes = [1, 512], strides = [1, 1]} : vector<20x512xf32> to vector<1x512xf32>
    %add3A_260 = vector.broadcast %slice3A_259 : vector<1x512xf32> to vector<2048x512xf32>
    %add3A_261 = arith.addf %dot_general3A_258, %add3A_260 : vector<2048x512xf32>
    %tanh3A_262 = math.tanh %add3A_261 : vector<2048x512xf32>
    %slice3A_263 = vector.extract_strided_slice %select_n3A_112 {offsets = [8, 0], sizes = [1, 512], strides = [1, 1]} : vector<20x512xf32> to vector<1x512xf32>
    %mul3A_264 = vector.broadcast %slice3A_263 : vector<1x512xf32> to vector<2048x512xf32>
    %mul3A_265 = arith.mulf %tanh3A_262, %mul3A_264 : vector<2048x512xf32>
    %slice3A_266 = vector.extract_strided_slice %mul3A_265 {offsets = [0, 0], sizes = [2048, 256], strides = [1, 1]} : vector<2048x512xf32> to vector<2048x256xf32>
    %slice3A_267 = vector.extract_strided_slice %mul3A_265 {offsets = [0, 256], sizes = [2048, 256], strides = [1, 1]} : vector<2048x512xf32> to vector<2048x256xf32>
    %add3A_268 = arith.addf %slice3A_266, %slice3A_267 : vector<2048x256xf32>
    %slice3A_269 = vector.extract_strided_slice %add3A_268 {offsets = [0, 0], sizes = [2048, 128], strides = [1, 1]} : vector<2048x256xf32> to vector<2048x128xf32>
    %slice3A_270 = vector.extract_strided_slice %add3A_268 {offsets = [0, 128], sizes = [2048, 128], strides = [1, 1]} : vector<2048x256xf32> to vector<2048x128xf32>
    %add3A_271 = arith.addf %slice3A_269, %slice3A_270 : vector<2048x128xf32>
    %slice3A_272 = vector.extract_strided_slice %add3A_271 {offsets = [0, 0], sizes = [2048, 64], strides = [1, 1]} : vector<2048x128xf32> to vector<2048x64xf32>
    %slice3A_273 = vector.extract_strided_slice %add3A_271 {offsets = [0, 64], sizes = [2048, 64], strides = [1, 1]} : vector<2048x128xf32> to vector<2048x64xf32>
    %add3A_274 = arith.addf %slice3A_272, %slice3A_273 : vector<2048x64xf32>
    %dot_general3A_275 = arith.constant dense<0.000000e+00> : vector<2048x512xf32>
    %dot_general3A_276 = tpu.matmul %add3A_274, %get3A_11, %dot_general3A_275 {dimension_numbers = #tpu.dot_dimension_numbers<[1], [0], [0], [1], [0, 0, 1, 1], [], []>, transpose_lhs_hint = false} : vector<2048x64xf32>, vector<64x512xf32>, vector<2048x512xf32> -> vector<2048x512xf32>
    %slice3A_277 = vector.extract_strided_slice %dot_general3A_15 {offsets = [9, 0], sizes = [1, 512], strides = [1, 1]} : vector<20x512xf32> to vector<1x512xf32>
    %add3A_278 = vector.broadcast %slice3A_277 : vector<1x512xf32> to vector<2048x512xf32>
    %add3A_279 = arith.addf %dot_general3A_276, %add3A_278 : vector<2048x512xf32>
    %tanh3A_280 = math.tanh %add3A_279 : vector<2048x512xf32>
    %slice3A_281 = vector.extract_strided_slice %select_n3A_112 {offsets = [9, 0], sizes = [1, 512], strides = [1, 1]} : vector<20x512xf32> to vector<1x512xf32>
    %mul3A_282 = vector.broadcast %slice3A_281 : vector<1x512xf32> to vector<2048x512xf32>
    %mul3A_283 = arith.mulf %tanh3A_280, %mul3A_282 : vector<2048x512xf32>
    %slice3A_284 = vector.extract_strided_slice %mul3A_283 {offsets = [0, 0], sizes = [2048, 256], strides = [1, 1]} : vector<2048x512xf32> to vector<2048x256xf32>
    %slice3A_285 = vector.extract_strided_slice %mul3A_283 {offsets = [0, 256], sizes = [2048, 256], strides = [1, 1]} : vector<2048x512xf32> to vector<2048x256xf32>
    %add3A_286 = arith.addf %slice3A_284, %slice3A_285 : vector<2048x256xf32>
    %slice3A_287 = vector.extract_strided_slice %add3A_286 {offsets = [0, 0], sizes = [2048, 128], strides = [1, 1]} : vector<2048x256xf32> to vector<2048x128xf32>
    %slice3A_288 = vector.extract_strided_slice %add3A_286 {offsets = [0, 128], sizes = [2048, 128], strides = [1, 1]} : vector<2048x256xf32> to vector<2048x128xf32>
    %add3A_289 = arith.addf %slice3A_287, %slice3A_288 : vector<2048x128xf32>
    %slice3A_290 = vector.extract_strided_slice %add3A_289 {offsets = [0, 0], sizes = [2048, 64], strides = [1, 1]} : vector<2048x128xf32> to vector<2048x64xf32>
    %slice3A_291 = vector.extract_strided_slice %add3A_289 {offsets = [0, 64], sizes = [2048, 64], strides = [1, 1]} : vector<2048x128xf32> to vector<2048x64xf32>
    %add3A_292 = arith.addf %slice3A_290, %slice3A_291 : vector<2048x64xf32>
    %dot_general3A_293 = arith.constant dense<0.000000e+00> : vector<2048x512xf32>
    %dot_general3A_294 = tpu.matmul %add3A_292, %get3A_11, %dot_general3A_293 {dimension_numbers = #tpu.dot_dimension_numbers<[1], [0], [0], [1], [0, 0, 1, 1], [], []>, transpose_lhs_hint = false} : vector<2048x64xf32>, vector<64x512xf32>, vector<2048x512xf32> -> vector<2048x512xf32>
    %slice3A_295 = vector.extract_strided_slice %dot_general3A_15 {offsets = [10, 0], sizes = [1, 512], strides = [1, 1]} : vector<20x512xf32> to vector<1x512xf32>
    %add3A_296 = vector.broadcast %slice3A_295 : vector<1x512xf32> to vector<2048x512xf32>
    %add3A_297 = arith.addf %dot_general3A_294, %add3A_296 : vector<2048x512xf32>
    %tanh3A_298 = math.tanh %add3A_297 : vector<2048x512xf32>
    %slice3A_299 = vector.extract_strided_slice %select_n3A_112 {offsets = [10, 0], sizes = [1, 512], strides = [1, 1]} : vector<20x512xf32> to vector<1x512xf32>
    %mul3A_300 = vector.broadcast %slice3A_299 : vector<1x512xf32> to vector<2048x512xf32>
    %mul3A_301 = arith.mulf %tanh3A_298, %mul3A_300 : vector<2048x512xf32>
    %slice3A_302 = vector.extract_strided_slice %mul3A_301 {offsets = [0, 0], sizes = [2048, 256], strides = [1, 1]} : vector<2048x512xf32> to vector<2048x256xf32>
    %slice3A_303 = vector.extract_strided_slice %mul3A_301 {offsets = [0, 256], sizes = [2048, 256], strides = [1, 1]} : vector<2048x512xf32> to vector<2048x256xf32>
    %add3A_304 = arith.addf %slice3A_302, %slice3A_303 : vector<2048x256xf32>
    %slice3A_305 = vector.extract_strided_slice %add3A_304 {offsets = [0, 0], sizes = [2048, 128], strides = [1, 1]} : vector<2048x256xf32> to vector<2048x128xf32>
    %slice3A_306 = vector.extract_strided_slice %add3A_304 {offsets = [0, 128], sizes = [2048, 128], strides = [1, 1]} : vector<2048x256xf32> to vector<2048x128xf32>
    %add3A_307 = arith.addf %slice3A_305, %slice3A_306 : vector<2048x128xf32>
    %slice3A_308 = vector.extract_strided_slice %add3A_307 {offsets = [0, 0], sizes = [2048, 64], strides = [1, 1]} : vector<2048x128xf32> to vector<2048x64xf32>
    %slice3A_309 = vector.extract_strided_slice %add3A_307 {offsets = [0, 64], sizes = [2048, 64], strides = [1, 1]} : vector<2048x128xf32> to vector<2048x64xf32>
    %add3A_310 = arith.addf %slice3A_308, %slice3A_309 : vector<2048x64xf32>
    %dot_general3A_311 = arith.constant dense<0.000000e+00> : vector<2048x512xf32>
    %dot_general3A_312 = tpu.matmul %add3A_310, %get3A_11, %dot_general3A_311 {dimension_numbers = #tpu.dot_dimension_numbers<[1], [0], [0], [1], [0, 0, 1, 1], [], []>, transpose_lhs_hint = false} : vector<2048x64xf32>, vector<64x512xf32>, vector<2048x512xf32> -> vector<2048x512xf32>
    %slice3A_313 = vector.extract_strided_slice %dot_general3A_15 {offsets = [11, 0], sizes = [1, 512], strides = [1, 1]} : vector<20x512xf32> to vector<1x512xf32>
    %add3A_314 = vector.broadcast %slice3A_313 : vector<1x512xf32> to vector<2048x512xf32>
    %add3A_315 = arith.addf %dot_general3A_312, %add3A_314 : vector<2048x512xf32>
    %tanh3A_316 = math.tanh %add3A_315 : vector<2048x512xf32>
    %slice3A_317 = vector.extract_strided_slice %select_n3A_112 {offsets = [11, 0], sizes = [1, 512], strides = [1, 1]} : vector<20x512xf32> to vector<1x512xf32>
    %mul3A_318 = vector.broadcast %slice3A_317 : vector<1x512xf32> to vector<2048x512xf32>
    %mul3A_319 = arith.mulf %tanh3A_316, %mul3A_318 : vector<2048x512xf32>
    %slice3A_320 = vector.extract_strided_slice %mul3A_319 {offsets = [0, 0], sizes = [2048, 256], strides = [1, 1]} : vector<2048x512xf32> to vector<2048x256xf32>
    %slice3A_321 = vector.extract_strided_slice %mul3A_319 {offsets = [0, 256], sizes = [2048, 256], strides = [1, 1]} : vector<2048x512xf32> to vector<2048x256xf32>
    %add3A_322 = arith.addf %slice3A_320, %slice3A_321 : vector<2048x256xf32>
    %slice3A_323 = vector.extract_strided_slice %add3A_322 {offsets = [0, 0], sizes = [2048, 128], strides = [1, 1]} : vector<2048x256xf32> to vector<2048x128xf32>
    %slice3A_324 = vector.extract_strided_slice %add3A_322 {offsets = [0, 128], sizes = [2048, 128], strides = [1, 1]} : vector<2048x256xf32> to vector<2048x128xf32>
    %add3A_325 = arith.addf %slice3A_323, %slice3A_324 : vector<2048x128xf32>
    %slice3A_326 = vector.extract_strided_slice %add3A_325 {offsets = [0, 0], sizes = [2048, 64], strides = [1, 1]} : vector<2048x128xf32> to vector<2048x64xf32>
    %slice3A_327 = vector.extract_strided_slice %add3A_325 {offsets = [0, 64], sizes = [2048, 64], strides = [1, 1]} : vector<2048x128xf32> to vector<2048x64xf32>
    %add3A_328 = arith.addf %slice3A_326, %slice3A_327 : vector<2048x64xf32>
    %dot_general3A_329 = arith.constant dense<0.000000e+00> : vector<2048x512xf32>
    %dot_general3A_330 = tpu.matmul %add3A_328, %get3A_11, %dot_general3A_329 {dimension_numbers = #tpu.dot_dimension_numbers<[1], [0], [0], [1], [0, 0, 1, 1], [], []>, transpose_lhs_hint = false} : vector<2048x64xf32>, vector<64x512xf32>, vector<2048x512xf32> -> vector<2048x512xf32>
    %slice3A_331 = vector.extract_strided_slice %dot_general3A_15 {offsets = [12, 0], sizes = [1, 512], strides = [1, 1]} : vector<20x512xf32> to vector<1x512xf32>
    %add3A_332 = vector.broadcast %slice3A_331 : vector<1x512xf32> to vector<2048x512xf32>
    %add3A_333 = arith.addf %dot_general3A_330, %add3A_332 : vector<2048x512xf32>
    %tanh3A_334 = math.tanh %add3A_333 : vector<2048x512xf32>
    %slice3A_335 = vector.extract_strided_slice %select_n3A_112 {offsets = [12, 0], sizes = [1, 512], strides = [1, 1]} : vector<20x512xf32> to vector<1x512xf32>
    %mul3A_336 = vector.broadcast %slice3A_335 : vector<1x512xf32> to vector<2048x512xf32>
    %mul3A_337 = arith.mulf %tanh3A_334, %mul3A_336 : vector<2048x512xf32>
    %slice3A_338 = vector.extract_strided_slice %mul3A_337 {offsets = [0, 0], sizes = [2048, 256], strides = [1, 1]} : vector<2048x512xf32> to vector<2048x256xf32>
    %slice3A_339 = vector.extract_strided_slice %mul3A_337 {offsets = [0, 256], sizes = [2048, 256], strides = [1, 1]} : vector<2048x512xf32> to vector<2048x256xf32>
    %add3A_340 = arith.addf %slice3A_338, %slice3A_339 : vector<2048x256xf32>
    %slice3A_341 = vector.extract_strided_slice %add3A_340 {offsets = [0, 0], sizes = [2048, 128], strides = [1, 1]} : vector<2048x256xf32> to vector<2048x128xf32>
    %slice3A_342 = vector.extract_strided_slice %add3A_340 {offsets = [0, 128], sizes = [2048, 128], strides = [1, 1]} : vector<2048x256xf32> to vector<2048x128xf32>
    %add3A_343 = arith.addf %slice3A_341, %slice3A_342 : vector<2048x128xf32>
    %slice3A_344 = vector.extract_strided_slice %add3A_343 {offsets = [0, 0], sizes = [2048, 64], strides = [1, 1]} : vector<2048x128xf32> to vector<2048x64xf32>
    %slice3A_345 = vector.extract_strided_slice %add3A_343 {offsets = [0, 64], sizes = [2048, 64], strides = [1, 1]} : vector<2048x128xf32> to vector<2048x64xf32>
    %add3A_346 = arith.addf %slice3A_344, %slice3A_345 : vector<2048x64xf32>
    %dot_general3A_347 = arith.constant dense<0.000000e+00> : vector<2048x512xf32>
    %dot_general3A_348 = tpu.matmul %add3A_346, %get3A_11, %dot_general3A_347 {dimension_numbers = #tpu.dot_dimension_numbers<[1], [0], [0], [1], [0, 0, 1, 1], [], []>, transpose_lhs_hint = false} : vector<2048x64xf32>, vector<64x512xf32>, vector<2048x512xf32> -> vector<2048x512xf32>
    %slice3A_349 = vector.extract_strided_slice %dot_general3A_15 {offsets = [13, 0], sizes = [1, 512], strides = [1, 1]} : vector<20x512xf32> to vector<1x512xf32>
    %add3A_350 = vector.broadcast %slice3A_349 : vector<1x512xf32> to vector<2048x512xf32>
    %add3A_351 = arith.addf %dot_general3A_348, %add3A_350 : vector<2048x512xf32>
    %tanh3A_352 = math.tanh %add3A_351 : vector<2048x512xf32>
    %slice3A_353 = vector.extract_strided_slice %select_n3A_112 {offsets = [13, 0], sizes = [1, 512], strides = [1, 1]} : vector<20x512xf32> to vector<1x512xf32>
    %mul3A_354 = vector.broadcast %slice3A_353 : vector<1x512xf32> to vector<2048x512xf32>
    %mul3A_355 = arith.mulf %tanh3A_352, %mul3A_354 : vector<2048x512xf32>
    %slice3A_356 = vector.extract_strided_slice %mul3A_355 {offsets = [0, 0], sizes = [2048, 256], strides = [1, 1]} : vector<2048x512xf32> to vector<2048x256xf32>
    %slice3A_357 = vector.extract_strided_slice %mul3A_355 {offsets = [0, 256], sizes = [2048, 256], strides = [1, 1]} : vector<2048x512xf32> to vector<2048x256xf32>
    %add3A_358 = arith.addf %slice3A_356, %slice3A_357 : vector<2048x256xf32>
    %slice3A_359 = vector.extract_strided_slice %add3A_358 {offsets = [0, 0], sizes = [2048, 128], strides = [1, 1]} : vector<2048x256xf32> to vector<2048x128xf32>
    %slice3A_360 = vector.extract_strided_slice %add3A_358 {offsets = [0, 128], sizes = [2048, 128], strides = [1, 1]} : vector<2048x256xf32> to vector<2048x128xf32>
    %add3A_361 = arith.addf %slice3A_359, %slice3A_360 : vector<2048x128xf32>
    %slice3A_362 = vector.extract_strided_slice %add3A_361 {offsets = [0, 0], sizes = [2048, 64], strides = [1, 1]} : vector<2048x128xf32> to vector<2048x64xf32>
    %slice3A_363 = vector.extract_strided_slice %add3A_361 {offsets = [0, 64], sizes = [2048, 64], strides = [1, 1]} : vector<2048x128xf32> to vector<2048x64xf32>
    %add3A_364 = arith.addf %slice3A_362, %slice3A_363 : vector<2048x64xf32>
    %dot_general3A_365 = arith.constant dense<0.000000e+00> : vector<2048x512xf32>
    %dot_general3A_366 = tpu.matmul %add3A_364, %get3A_11, %dot_general3A_365 {dimension_numbers = #tpu.dot_dimension_numbers<[1], [0], [0], [1], [0, 0, 1, 1], [], []>, transpose_lhs_hint = false} : vector<2048x64xf32>, vector<64x512xf32>, vector<2048x512xf32> -> vector<2048x512xf32>
    %slice3A_367 = vector.extract_strided_slice %dot_general3A_15 {offsets = [14, 0], sizes = [1, 512], strides = [1, 1]} : vector<20x512xf32> to vector<1x512xf32>
    %add3A_368 = vector.broadcast %slice3A_367 : vector<1x512xf32> to vector<2048x512xf32>
    %add3A_369 = arith.addf %dot_general3A_366, %add3A_368 : vector<2048x512xf32>
    %tanh3A_370 = math.tanh %add3A_369 : vector<2048x512xf32>
    %slice3A_371 = vector.extract_strided_slice %select_n3A_112 {offsets = [14, 0], sizes = [1, 512], strides = [1, 1]} : vector<20x512xf32> to vector<1x512xf32>
    %mul3A_372 = vector.broadcast %slice3A_371 : vector<1x512xf32> to vector<2048x512xf32>
    %mul3A_373 = arith.mulf %tanh3A_370, %mul3A_372 : vector<2048x512xf32>
    %slice3A_374 = vector.extract_strided_slice %mul3A_373 {offsets = [0, 0], sizes = [2048, 256], strides = [1, 1]} : vector<2048x512xf32> to vector<2048x256xf32>
    %slice3A_375 = vector.extract_strided_slice %mul3A_373 {offsets = [0, 256], sizes = [2048, 256], strides = [1, 1]} : vector<2048x512xf32> to vector<2048x256xf32>
    %add3A_376 = arith.addf %slice3A_374, %slice3A_375 : vector<2048x256xf32>
    %slice3A_377 = vector.extract_strided_slice %add3A_376 {offsets = [0, 0], sizes = [2048, 128], strides = [1, 1]} : vector<2048x256xf32> to vector<2048x128xf32>
    %slice3A_378 = vector.extract_strided_slice %add3A_376 {offsets = [0, 128], sizes = [2048, 128], strides = [1, 1]} : vector<2048x256xf32> to vector<2048x128xf32>
    %add3A_379 = arith.addf %slice3A_377, %slice3A_378 : vector<2048x128xf32>
    %slice3A_380 = vector.extract_strided_slice %add3A_379 {offsets = [0, 0], sizes = [2048, 64], strides = [1, 1]} : vector<2048x128xf32> to vector<2048x64xf32>
    %slice3A_381 = vector.extract_strided_slice %add3A_379 {offsets = [0, 64], sizes = [2048, 64], strides = [1, 1]} : vector<2048x128xf32> to vector<2048x64xf32>
    %add3A_382 = arith.addf %slice3A_380, %slice3A_381 : vector<2048x64xf32>
    %dot_general3A_383 = arith.constant dense<0.000000e+00> : vector<2048x512xf32>
    %dot_general3A_384 = tpu.matmul %add3A_382, %get3A_11, %dot_general3A_383 {dimension_numbers = #tpu.dot_dimension_numbers<[1], [0], [0], [1], [0, 0, 1, 1], [], []>, transpose_lhs_hint = false} : vector<2048x64xf32>, vector<64x512xf32>, vector<2048x512xf32> -> vector<2048x512xf32>
    %slice3A_385 = vector.extract_strided_slice %dot_general3A_15 {offsets = [15, 0], sizes = [1, 512], strides = [1, 1]} : vector<20x512xf32> to vector<1x512xf32>
    %add3A_386 = vector.broadcast %slice3A_385 : vector<1x512xf32> to vector<2048x512xf32>
    %add3A_387 = arith.addf %dot_general3A_384, %add3A_386 : vector<2048x512xf32>
    %tanh3A_388 = math.tanh %add3A_387 : vector<2048x512xf32>
    %slice3A_389 = vector.extract_strided_slice %select_n3A_112 {offsets = [15, 0], sizes = [1, 512], strides = [1, 1]} : vector<20x512xf32> to vector<1x512xf32>
    %mul3A_390 = vector.broadcast %slice3A_389 : vector<1x512xf32> to vector<2048x512xf32>
    %mul3A_391 = arith.mulf %tanh3A_388, %mul3A_390 : vector<2048x512xf32>
    %slice3A_392 = vector.extract_strided_slice %mul3A_391 {offsets = [0, 0], sizes = [2048, 256], strides = [1, 1]} : vector<2048x512xf32> to vector<2048x256xf32>
    %slice3A_393 = vector.extract_strided_slice %mul3A_391 {offsets = [0, 256], sizes = [2048, 256], strides = [1, 1]} : vector<2048x512xf32> to vector<2048x256xf32>
    %add3A_394 = arith.addf %slice3A_392, %slice3A_393 : vector<2048x256xf32>
    %slice3A_395 = vector.extract_strided_slice %add3A_394 {offsets = [0, 0], sizes = [2048, 128], strides = [1, 1]} : vector<2048x256xf32> to vector<2048x128xf32>
    %slice3A_396 = vector.extract_strided_slice %add3A_394 {offsets = [0, 128], sizes = [2048, 128], strides = [1, 1]} : vector<2048x256xf32> to vector<2048x128xf32>
    %add3A_397 = arith.addf %slice3A_395, %slice3A_396 : vector<2048x128xf32>
    %slice3A_398 = vector.extract_strided_slice %add3A_397 {offsets = [0, 0], sizes = [2048, 64], strides = [1, 1]} : vector<2048x128xf32> to vector<2048x64xf32>
    %slice3A_399 = vector.extract_strided_slice %add3A_397 {offsets = [0, 64], sizes = [2048, 64], strides = [1, 1]} : vector<2048x128xf32> to vector<2048x64xf32>
    %add3A_400 = arith.addf %slice3A_398, %slice3A_399 : vector<2048x64xf32>
    %dot_general3A_401 = arith.constant dense<0.000000e+00> : vector<2048x512xf32>
    %dot_general3A_402 = tpu.matmul %add3A_400, %get3A_11, %dot_general3A_401 {dimension_numbers = #tpu.dot_dimension_numbers<[1], [0], [0], [1], [0, 0, 1, 1], [], []>, transpose_lhs_hint = false} : vector<2048x64xf32>, vector<64x512xf32>, vector<2048x512xf32> -> vector<2048x512xf32>
    %slice3A_403 = vector.extract_strided_slice %dot_general3A_15 {offsets = [16, 0], sizes = [1, 512], strides = [1, 1]} : vector<20x512xf32> to vector<1x512xf32>
    %add3A_404 = vector.broadcast %slice3A_403 : vector<1x512xf32> to vector<2048x512xf32>
    %add3A_405 = arith.addf %dot_general3A_402, %add3A_404 : vector<2048x512xf32>
    %tanh3A_406 = math.tanh %add3A_405 : vector<2048x512xf32>
    %slice3A_407 = vector.extract_strided_slice %select_n3A_112 {offsets = [16, 0], sizes = [1, 512], strides = [1, 1]} : vector<20x512xf32> to vector<1x512xf32>
    %mul3A_408 = vector.broadcast %slice3A_407 : vector<1x512xf32> to vector<2048x512xf32>
    %mul3A_409 = arith.mulf %tanh3A_406, %mul3A_408 : vector<2048x512xf32>
    %slice3A_410 = vector.extract_strided_slice %mul3A_409 {offsets = [0, 0], sizes = [2048, 256], strides = [1, 1]} : vector<2048x512xf32> to vector<2048x256xf32>
    %slice3A_411 = vector.extract_strided_slice %mul3A_409 {offsets = [0, 256], sizes = [2048, 256], strides = [1, 1]} : vector<2048x512xf32> to vector<2048x256xf32>
    %add3A_412 = arith.addf %slice3A_410, %slice3A_411 : vector<2048x256xf32>
    %slice3A_413 = vector.extract_strided_slice %add3A_412 {offsets = [0, 0], sizes = [2048, 128], strides = [1, 1]} : vector<2048x256xf32> to vector<2048x128xf32>
    %slice3A_414 = vector.extract_strided_slice %add3A_412 {offsets = [0, 128], sizes = [2048, 128], strides = [1, 1]} : vector<2048x256xf32> to vector<2048x128xf32>
    %add3A_415 = arith.addf %slice3A_413, %slice3A_414 : vector<2048x128xf32>
    %slice3A_416 = vector.extract_strided_slice %add3A_415 {offsets = [0, 0], sizes = [2048, 64], strides = [1, 1]} : vector<2048x128xf32> to vector<2048x64xf32>
    %slice3A_417 = vector.extract_strided_slice %add3A_415 {offsets = [0, 64], sizes = [2048, 64], strides = [1, 1]} : vector<2048x128xf32> to vector<2048x64xf32>
    %add3A_418 = arith.addf %slice3A_416, %slice3A_417 : vector<2048x64xf32>
    %dot_general3A_419 = arith.constant dense<0.000000e+00> : vector<2048x512xf32>
    %dot_general3A_420 = tpu.matmul %add3A_418, %get3A_11, %dot_general3A_419 {dimension_numbers = #tpu.dot_dimension_numbers<[1], [0], [0], [1], [0, 0, 1, 1], [], []>, transpose_lhs_hint = false} : vector<2048x64xf32>, vector<64x512xf32>, vector<2048x512xf32> -> vector<2048x512xf32>
    %slice3A_421 = vector.extract_strided_slice %dot_general3A_15 {offsets = [17, 0], sizes = [1, 512], strides = [1, 1]} : vector<20x512xf32> to vector<1x512xf32>
    %add3A_422 = vector.broadcast %slice3A_421 : vector<1x512xf32> to vector<2048x512xf32>
    %add3A_423 = arith.addf %dot_general3A_420, %add3A_422 : vector<2048x512xf32>
    %tanh3A_424 = math.tanh %add3A_423 : vector<2048x512xf32>
    %slice3A_425 = vector.extract_strided_slice %select_n3A_112 {offsets = [17, 0], sizes = [1, 512], strides = [1, 1]} : vector<20x512xf32> to vector<1x512xf32>
    %mul3A_426 = vector.broadcast %slice3A_425 : vector<1x512xf32> to vector<2048x512xf32>
    %mul3A_427 = arith.mulf %tanh3A_424, %mul3A_426 : vector<2048x512xf32>
    %slice3A_428 = vector.extract_strided_slice %mul3A_427 {offsets = [0, 0], sizes = [2048, 256], strides = [1, 1]} : vector<2048x512xf32> to vector<2048x256xf32>
    %slice3A_429 = vector.extract_strided_slice %mul3A_427 {offsets = [0, 256], sizes = [2048, 256], strides = [1, 1]} : vector<2048x512xf32> to vector<2048x256xf32>
    %add3A_430 = arith.addf %slice3A_428, %slice3A_429 : vector<2048x256xf32>
    %slice3A_431 = vector.extract_strided_slice %add3A_430 {offsets = [0, 0], sizes = [2048, 128], strides = [1, 1]} : vector<2048x256xf32> to vector<2048x128xf32>
    %slice3A_432 = vector.extract_strided_slice %add3A_430 {offsets = [0, 128], sizes = [2048, 128], strides = [1, 1]} : vector<2048x256xf32> to vector<2048x128xf32>
    %add3A_433 = arith.addf %slice3A_431, %slice3A_432 : vector<2048x128xf32>
    %slice3A_434 = vector.extract_strided_slice %add3A_433 {offsets = [0, 0], sizes = [2048, 64], strides = [1, 1]} : vector<2048x128xf32> to vector<2048x64xf32>
    %slice3A_435 = vector.extract_strided_slice %add3A_433 {offsets = [0, 64], sizes = [2048, 64], strides = [1, 1]} : vector<2048x128xf32> to vector<2048x64xf32>
    %add3A_436 = arith.addf %slice3A_434, %slice3A_435 : vector<2048x64xf32>
    %dot_general3A_437 = arith.constant dense<0.000000e+00> : vector<2048x512xf32>
    %dot_general3A_438 = tpu.matmul %add3A_436, %get3A_11, %dot_general3A_437 {dimension_numbers = #tpu.dot_dimension_numbers<[1], [0], [0], [1], [0, 0, 1, 1], [], []>, transpose_lhs_hint = false} : vector<2048x64xf32>, vector<64x512xf32>, vector<2048x512xf32> -> vector<2048x512xf32>
    %slice3A_439 = vector.extract_strided_slice %dot_general3A_15 {offsets = [18, 0], sizes = [1, 512], strides = [1, 1]} : vector<20x512xf32> to vector<1x512xf32>
    %add3A_440 = vector.broadcast %slice3A_439 : vector<1x512xf32> to vector<2048x512xf32>
    %add3A_441 = arith.addf %dot_general3A_438, %add3A_440 : vector<2048x512xf32>
    %tanh3A_442 = math.tanh %add3A_441 : vector<2048x512xf32>
    %slice3A_443 = vector.extract_strided_slice %select_n3A_112 {offsets = [18, 0], sizes = [1, 512], strides = [1, 1]} : vector<20x512xf32> to vector<1x512xf32>
    %mul3A_444 = vector.broadcast %slice3A_443 : vector<1x512xf32> to vector<2048x512xf32>
    %mul3A_445 = arith.mulf %tanh3A_442, %mul3A_444 : vector<2048x512xf32>
    %slice3A_446 = vector.extract_strided_slice %mul3A_445 {offsets = [0, 0], sizes = [2048, 256], strides = [1, 1]} : vector<2048x512xf32> to vector<2048x256xf32>
    %slice3A_447 = vector.extract_strided_slice %mul3A_445 {offsets = [0, 256], sizes = [2048, 256], strides = [1, 1]} : vector<2048x512xf32> to vector<2048x256xf32>
    %add3A_448 = arith.addf %slice3A_446, %slice3A_447 : vector<2048x256xf32>
    %slice3A_449 = vector.extract_strided_slice %add3A_448 {offsets = [0, 0], sizes = [2048, 128], strides = [1, 1]} : vector<2048x256xf32> to vector<2048x128xf32>
    %slice3A_450 = vector.extract_strided_slice %add3A_448 {offsets = [0, 128], sizes = [2048, 128], strides = [1, 1]} : vector<2048x256xf32> to vector<2048x128xf32>
    %add3A_451 = arith.addf %slice3A_449, %slice3A_450 : vector<2048x128xf32>
    %slice3A_452 = vector.extract_strided_slice %add3A_451 {offsets = [0, 0], sizes = [2048, 64], strides = [1, 1]} : vector<2048x128xf32> to vector<2048x64xf32>
    %slice3A_453 = vector.extract_strided_slice %add3A_451 {offsets = [0, 64], sizes = [2048, 64], strides = [1, 1]} : vector<2048x128xf32> to vector<2048x64xf32>
    %add3A_454 = arith.addf %slice3A_452, %slice3A_453 : vector<2048x64xf32>
    %dot_general3A_455 = arith.constant dense<0.000000e+00> : vector<2048x512xf32>
    %dot_general3A_456 = tpu.matmul %add3A_454, %get3A_11, %dot_general3A_455 {dimension_numbers = #tpu.dot_dimension_numbers<[1], [0], [0], [1], [0, 0, 1, 1], [], []>, transpose_lhs_hint = false} : vector<2048x64xf32>, vector<64x512xf32>, vector<2048x512xf32> -> vector<2048x512xf32>
    %slice3A_457 = vector.extract_strided_slice %dot_general3A_15 {offsets = [19, 0], sizes = [1, 512], strides = [1, 1]} : vector<20x512xf32> to vector<1x512xf32>
    %add3A_458 = vector.broadcast %slice3A_457 : vector<1x512xf32> to vector<2048x512xf32>
    %add3A_459 = arith.addf %dot_general3A_456, %add3A_458 : vector<2048x512xf32>
    %tanh3A_460 = math.tanh %add3A_459 : vector<2048x512xf32>
    %slice3A_461 = vector.extract_strided_slice %select_n3A_112 {offsets = [19, 0], sizes = [1, 512], strides = [1, 1]} : vector<20x512xf32> to vector<1x512xf32>
    %mul3A_462 = vector.broadcast %slice3A_461 : vector<1x512xf32> to vector<2048x512xf32>
    %mul3A_463 = arith.mulf %tanh3A_460, %mul3A_462 : vector<2048x512xf32>
    %slice3A_464 = vector.extract_strided_slice %mul3A_463 {offsets = [0, 0], sizes = [2048, 256], strides = [1, 1]} : vector<2048x512xf32> to vector<2048x256xf32>
    %slice3A_465 = vector.extract_strided_slice %mul3A_463 {offsets = [0, 256], sizes = [2048, 256], strides = [1, 1]} : vector<2048x512xf32> to vector<2048x256xf32>
    %add3A_466 = arith.addf %slice3A_464, %slice3A_465 : vector<2048x256xf32>
    %slice3A_467 = vector.extract_strided_slice %add3A_466 {offsets = [0, 0], sizes = [2048, 128], strides = [1, 1]} : vector<2048x256xf32> to vector<2048x128xf32>
    %slice3A_468 = vector.extract_strided_slice %add3A_466 {offsets = [0, 128], sizes = [2048, 128], strides = [1, 1]} : vector<2048x256xf32> to vector<2048x128xf32>
    %add3A_469 = arith.addf %slice3A_467, %slice3A_468 : vector<2048x128xf32>
    %slice3A_470 = vector.extract_strided_slice %add3A_469 {offsets = [0, 0], sizes = [2048, 64], strides = [1, 1]} : vector<2048x128xf32> to vector<2048x64xf32>
    %slice3A_471 = vector.extract_strided_slice %add3A_469 {offsets = [0, 64], sizes = [2048, 64], strides = [1, 1]} : vector<2048x128xf32> to vector<2048x64xf32>
    %add3A_472 = arith.addf %slice3A_470, %slice3A_471 : vector<2048x64xf32>
    %swap3A = arith.constant 0 : index
    %swap3A_473 = arith.constant 0 : index
    %swap3A_474 = vector.load %arg5[%swap3A, %swap3A_473] : memref<2048x64xf32, #tpu.memory_space<vmem>>, vector<2048x64xf32>
    tpu.vector_store %arg5[%swap3A, %swap3A_473], %add3A_472 {strides = array<i32>} : memref<2048x64xf32, #tpu.memory_space<vmem>>, vector<2048x64xf32>,
    %swap3A_475 = arith.constant 0 : index
    %swap3A_476 = arith.constant 0 : index
    %swap3A_477 = vector.load %arg6[%swap3A_475, %swap3A_476] : memref<20x8xf32, #tpu.memory_space<vmem>>, vector<20x8xf32>
    tpu.vector_store %arg6[%swap3A_475, %swap3A_476], %get3A_1 {strides = array<i32>} : memref<20x8xf32, #tpu.memory_space<vmem>>, vector<20x8xf32>,
    return
  }
  func.func @transform_0(%arg0: i32) -> (i32, i32) {
    %c0_i32 = arith.constant 0 : i32
    %c0_i32_0 = arith.constant 0 : i32
    %c0_i32_1 = arith.constant 0 : i32
    return %c0_i32, %c0_i32_0 : i32, i32
  }
  func.func @transform_1(%arg0: i32) -> (i32, i32) {
    %c0_i32 = arith.constant 0 : i32
    %c0_i32_0 = arith.constant 0 : i32
    return %arg0, %c0_i32 : i32, i32
  }
  func.func @transform_2(%arg0: i32) -> (i32, i32) {
    %c0_i32 = arith.constant 0 : i32
    %c0_i32_0 = arith.constant 0 : i32
    %c0_i32_1 = arith.constant 0 : i32
    return %c0_i32, %c0_i32_0 : i32, i32
  }
  func.func @transform_3(%arg0: i32) -> (i32, i32) {
    %c0_i32 = arith.constant 0 : i32
    %c0_i32_0 = arith.constant 0 : i32
    %c0_i32_1 = arith.constant 0 : i32
    return %c0_i32, %c0_i32_0 : i32, i32
  }
  func.func @transform_4(%arg0: i32) -> (i32, i32) {
    %c0_i32 = arith.constant 0 : i32
    %c0_i32_0 = arith.constant 0 : i32
    return %arg0, %c0_i32 : i32, i32
  }
  func.func @transform_5(%arg0: i32) -> (i32, i32) {
    %c0_i32 = arith.constant 0 : i32
    %c0_i32_0 = arith.constant 0 : i32
    %c0_i32_1 = arith.constant 0 : i32
    return %c0_i32, %c0_i32_0 : i32, i32
  }
}

</mosaic_0001>

<sc_bundles>
// kernel: kernel.4.cloned.1.call-start
scs
__scs_entry_jumppad:
0x0: {  	(pc) =	sbr.rel $0x88, $3  }
0x1: {  	(tag) =	ssettag $0x0;
	lr =	simm.s32 $0x1  }
0x2: {  	[smem:$0x3F9D] =	sst lr;
	_ =	strace $0xD0000000  }
0x3: {  	_ = 	snop  }
0x4: {  	_ = 	snop  }
0x5: {  	_ = 	snop  }
0x6: {  	_ = 	snop  }
0x7: {  	_ = 	snop  }
__scs_overlays_trampoline_lowered:
0x8: {  	[smem:$0x3FAC] =	sst s0  }
0x9: {  	[smem:$0x3FAD] =	sst s1  }
0xa: {  	[smem:$0x3FAE] =	sst s2  }
0xb: {  	[smem:$0x3FAF] =	sst s3  }
0xc: {  	[smem:$0x3FB0] =	sst s4  }
0xd: {  	[smem:$0x3FB1] =	sst s5  }
0xe: {  	[smem:$0x3FB2] =	sst s6  }
0xf: {  	[smem:$0x3FB3] =	sst s7  }
0x10: {  	[smem:$0x3FB4] =	sst s8  }
0x11: {  	[smem:$0x3FB5] =	sst s9;
	s0 =	simm.s32 @!p0 $0x0  }
0x12: {  	s1 =	sld [smem:$0x3F9B];
	s0 =	simm.s32 @p0 $0x1  }
0x13: {  	[smem:$0x3FB6] =	sst s0;
	s0 =	simm.s32 @!p1 $0x0  }
0x14: {  	s2 =	sld [smem:$0x3F9A];
	s0 =	simm.s32 @p1 $0x1  }
0x15: {  	[smem:$0x3FB7] =	sst s0;
	s0 =	simm.s32 @!p2 $0x0  }
0x16: {  	s3 =	sld [smem:$0x3FDB];
	s0 =	simm.s32 @p2 $0x1  }
0x17: {  	s4 =	simm.s32 $0x1BF5;
	[smem:$0x3FB9] =	sst s0  }
0x18: {  	s0 =	sld [smem:$0x3F9C];
	_ =	swait.ge [sflag:s4], $0x0  }
0x19: {  	s7 =	sld [smem:$0x3F9D]  }
0x1a: {  	s8 =	sadd.s32 $0xFFFFE003, lr  }
0x1b: {  	s9 =	sadd.s32 $0xFFFFFEF7, lr;
	s5 =	simm.s32 $0xFFFFFFFF;
	p2 =	slt.u32 s8, $0xFFFFF086  }
0x1c: {  	p1 =	slt.u32 s9, $0xF7A;
	s5 =	simm.s32 @!p2 $0x0  }
0x1d: {  	s5 =	simm.s32 @p1 $0x1;
	p0 =	seq.s32 s7, s2  }
0x1e: {  	s7 =	smul.u32 @!p0 $0xF7A, s2;
	p2 =	seq.s32 @!p0 s5, $0x0  }
0x1f: {  	s9 =	smul.u32 $0xF7A, s1;
	s8 =	simm.s32 @!p0 $0x1BF5;
	p2 =	por !p2, p0  }
0x20: {  	[sflag:s8] =	ssyncset.s32 @!p0 $0xFFFFF086;
	s6 =	sadd.s32 @!p0 s3, s7;
	s7 =	simm.s32 @!p0 $0x108  }
0x21: {  	s3 =	sadd.s32 s3, s9;
	s6 =	sadd.s32 @!p0 $0x88, s6;
	s7 =	simm.s32 @p2 $0x1082  }
0x22: {  	[simem:s7], [sflag:s8] =	dma.local @!p0 [hbm:s6], $0xF7A  }
0x23: {  	s9 =	sor.u32 $0xD0000000, s2;
	s6 =	simm.s32 $0x108;
	_ =	swait.ge @!p0 [sflag:s8], $0x0  }
0x24: {  	s3 =	sadd.s32 $0x88, s3;
	s6 =	simm.s32 @!p1 $0x1082;
	[sflag:s4] =	ssyncset.s32 $0xFFFFF086  }
0x25: {  	[simem:s6], [sflag:s4] =	dma.local [hbm:s3], $0xF7A  }
0x26: {  	[smem:$0x3F9D] =	sst s1;
	(tag) =	ssettag s2;
	_ =	strace s9  }
0x27: {  	s1 =	sld [smem:$0x3FAD]  }
0x28: {  	s2 =	sld [smem:$0x3FAE]  }
0x29: {  	s4 =	sld [smem:$0x3FB0]  }
0x2a: {  	p0 =	seq.s32 s5, $0x0;
	s5 =	sld [smem:$0x3FB1]  }
0x2b: {  	s6 =	sld [smem:$0x3FB2]  }
0x2c: {  	s7 =	sld [smem:$0x3FB3]  }
0x2d: {  	s3 =	simm.s32 $0x108;
	s8 =	sld [smem:$0x3FB4]  }
0x2e: {  	s3 =	simm.s32 @!p0 $0x1082;
	s9 =	sld [smem:$0x3FB5]  }
0x2f: {  	lr =	sadd.s32 s0, s3;
	s0 =	sld [smem:$0x3FAC]  }
0x30: {  	s3 =	sld [smem:$0x3FAF]  }
0x31: {  	[smem:$0x3FB8] =	sst s10  }
0x32: {  	s10 =	sld [smem:$0x3FB6];
	_ =	sdelay $0x3  }
0x33: {  	p0 =	seq.s32 s10, $0x1;
	s10 =	sld [smem:$0x3FB8];
	_ =	sdelay $0x3  }
0x34: {  	[smem:$0x3FB8] =	sst s10  }
0x35: {  	s10 =	sld [smem:$0x3FB7];
	_ =	sdelay $0x3  }
0x36: {  	p1 =	seq.s32 s10, $0x1;
	s10 =	sld [smem:$0x3FB8];
	_ =	sdelay $0x3  }
0x37: {  	[smem:$0x3FB8] =	sst s10  }
0x38: {  	s10 =	sld [smem:$0x3FB9]  }
0x39: {  	_ = 	snop;
	(pc) =	sbr.ind lr, $3  }
0x3a: {  	_ = 	snop  }
0x3b: {  	_ = 	snop  }
0x3c: {  	p2 =	seq.s32 s10, $0x1;
	s10 =	sld [smem:$0x3FB8]  }
0x3d: {  	_ =	shalt  }
0x3e: {  	_ =	shalt  }
0x3f: {  	_ =	shalt  }
0x40: {  	_ =	shalt  }
0x41: {  	_ =	shalt  }
0x42: {  	_ =	shalt  }
0x43: {  	_ =	shalt  }
0x44: {  	_ =	shalt  }
0x45: {  	_ =	shalt  }
0x46: {  	_ =	shalt  }
0x47: {  	_ =	shalt  }
0x48: {  	_ =	shalt  }
0x49: {  	_ =	shalt  }
0x4a: {  	_ =	shalt  }
0x4b: {  	_ =	shalt  }
0x4c: {  	_ =	shalt  }
0x4d: {  	_ =	shalt  }
0x4e: {  	_ =	shalt  }
0x4f: {  	_ =	shalt  }
0x50: {  	_ =	shalt  }
0x51: {  	_ =	shalt  }
0x52: {  	_ =	shalt  }
0x53: {  	_ =	shalt  }
0x54: {  	_ =	shalt  }
0x55: {  	_ =	shalt  }
0x56: {  	_ =	shalt  }
0x57: {  	_ =	shalt  }
0x58: {  	_ =	shalt  }
0x59: {  	_ =	shalt  }
0x5a: {  	_ =	shalt  }
0x5b: {  	_ =	shalt  }
0x5c: {  	_ =	shalt  }
0x5d: {  	_ =	shalt  }
0x5e: {  	_ =	shalt  }
0x5f: {  	_ =	shalt  }
0x60: {  	_ =	shalt  }
0x61: {  	_ =	shalt  }
0x62: {  	_ =	shalt  }
0x63: {  	_ =	shalt  }
0x64: {  	_ =	shalt  }
0x65: {  	_ =	shalt  }
0x66: {  	_ =	shalt  }
0x67: {  	_ =	shalt  }
0x68: {  	_ =	shalt  }
0x69: {  	_ =	shalt  }
0x6a: {  	_ =	shalt  }
0x6b: {  	_ =	shalt  }
0x6c: {  	_ =	shalt  }
0x6d: {  	_ =	shalt  }
0x6e: {  	_ =	shalt  }
0x6f: {  	_ =	shalt  }
0x70: {  	_ =	shalt  }
0x71: {  	_ =	shalt  }
0x72: {  	_ =	shalt  }
0x73: {  	_ =	shalt  }
0x74: {  	_ =	shalt  }
0x75: {  	_ =	shalt  }
0x76: {  	_ =	shalt  }
0x77: {  	_ =	shalt  }
0x78: {  	_ =	shalt  }
0x79: {  	_ =	shalt  }
0x7a: {  	_ =	shalt  }
0x7b: {  	_ =	shalt  }
0x7c: {  	_ =	shalt  }
0x7d: {  	_ =	shalt  }
0x7e: {  	_ =	shalt  }
0x7f: {  	_ =	shalt  }
0x80: {  	_ =	shalt  }
0x81: {  	_ =	shalt  }
0x82: {  	_ =	shalt  }
0x83: {  	_ =	shalt  }
0x84: {  	_ =	shalt  }
0x85: {  	_ =	shalt  }
0x86: {  	_ =	shalt  }
0x87: {  	_ =	shalt  }
.Lfunc_end0:
.L_simem_size_0:
called_computation_lowered:
.L_overlay_start_0:
0x88: {  	s2 =	sld [smem:$0x3FD9]  }
0x89: {  	s3 =	sld [smem:$0x3FFE];
	_ =	sdelay $0x1  }
0x8a: {  	s1 =	srdreg.scid  }
0x8b: {  	s0 =	sand.u32 $0x1, s1  }
0x8c: {  	s14 =	sshll.u32 s0, $0xA;
	s2 =	sadd.s32 s3, s2  }
0x8d: {  	s2 =	sadd.s32 s2, s14  }
0x8e: {  	[smem:$0x3FC4] =	sst s2  }
0x8f: {  	_ = 	snop  }
0x90: {  	s2 =	sld [smem:$0x3FD0];
	_ =	sdelay $0x2  }
0x91: {  	s15 =	simm.s32 $0xA;
	s4 =	simm.s32 $0x10  }
0x92: {  	[smem:s4], [sflag:s15] =	dma.local [hbm:s2], $0x1  }
0x93: {  	_ =	swait.eq [sflag:s15], $0x1  }
0x94: {  	[sflag:s15] =	ssyncset.done $0x0  }
0x95: {  	[sflag:s15] =	ssyncadd.s32 $0xFFFFFFFF  }
0x96: {  	s16 =	sld [smem:$0x10];
	(tm) =	ssettm $0x1  }
0x97: {  	s17 =	sld [smem:$0x3FFB];
	_ =	sdelay $0x3  }
0x98: {  	_ =	strace s17  }
0x99: {  	s3 =	sld [smem:$0x3FFC];
	_ =	sdelay $0x3  }
0x9a: {  	_ =	strace s3  }
0x9b: {  	s3 =	sld [smem:$0x3FFD];
	_ =	sdelay $0x3  }
0x9c: {  	_ =	strace s3  }
0x9d: {  	_ =	strace $0x8FFFFFFF  }
0x9e: {  	s18 =	sld [smem:$0x3FDB];
	_ =	sdelay $0x1  }
0x9f: {  	s19 =	simm.s32 $_scs_section_size  }
0xa0: {  	s5 =	simm.s32 $_size__tile_overlayer_lowered;
	s6 =	simm.s32 $_tile_overlayer_lowered  }
0xa1: {  	s22 =	simm.s32 $0x1BFF;
	s21 =	sshll.u32 s6, $0x1;
	s3 =	sadd.s32 s19, s18  }
0xa2: {  	s7 =	simm.s32 $0x0;
	s20 =	sshll.u32 s5, $0x1;
	s5 =	sadd.s32 s21, s3  }
0xa3: {  	[timem:s7], [sflag:s22] =	dma.local [hbm:s5], s20  }
0xa4: {  	_ =	swait.ge [sflag:s22], s20  }
0xa5: {  	s4 =	ssub.s32 $0x0, s20;
	[sflag:s22] =	ssyncset.done $0x0  }
0xa6: {  	[sflag:s22] =	ssyncadd.s32 s4;
	_ =	sdelay $0x1  }
0xa7: {  	s23 =	simm.s32 $0x1B8B  }
0xa8: {  	_ =	swait.ge [sflag:s23], $0x1  }
0xa9: {  	[sflag:s23] =	ssyncset.done $0x0  }
0xaa: {  	s25 =	simm.s32 $0x1B8E;
	s24 =	sld [smem:$0x3FFE];
	[sflag:s23] =	ssyncadd.s32 $0xFFFFFFFF  }
0xab: {  	s26 =	simm.s32 $execute0_lowered;
	[smem:$0x3FD2] =	sst s25  }
0xac: {  	s5 =	sshll.u32 s26, $0x1;
	_ =	strace $0x80000046;
	[dreg:$0x1] =	wrdreg $0xFFFFFFFF  }
0xad: {  	s28 =	simm.s32 $_size_execute0_lowered;
	s3 =	sadd.s32 s3, s5;
	[dreg:$0x0] =	wrdreg $0x0  }
0xae: {  	s5 =	sshll.u32 s28, $0x1;
	[dreg:$0x2] =	wrdreg s3  }
0xaf: {  	[dreg:$0x3] =	wrdreg s5  }
0xb0: {  	[dreg:$0x4] =	wrdreg $0xC0  }
0xb1: {  	_ =	task [dreg:s7], $0x5FFFF  }
0xb2: {  	[dreg:$0x1] =	wrdreg $0xFFFFFFFF  }
0xb3: {  	[dreg:$0x0] =	wrdreg $0x60  }
0xb4: {  	[dreg:$0x2] =	wrdreg s24  }
0xb5: {  	[dreg:$0x3] =	wrdreg s16  }
0xb6: {  	[dreg:$0x4] =	wrdreg $0x9  }
0xb7: {  	_ =	task.clear_ibuf [dreg:s7], $0x5FFFF;
	_ =	strace $0x90000046  }
0xb8: {  	s29 =	simm.s32 $0x9;
	_ =	strace $0x80000048  }
0xb9: {  	_ =	swait.ge [sflag:s29], $0x1  }
0xba: {  	[sflag:s29] =	ssyncadd.s32 $0xFFFFFFFF  }
0xbb: {  	_ =	strace $0x90000048  }
0xbc: {  	_ =	sfence  }
0xbd: {  	s30 =	sld [smem:$0x0];
	_ =	sdelay $0x2  }
0xbe: {  	s31 =	sshll.u32 s1, $0xD;
	s1 =	sshrl.u32 s1, $0x2  }
0xbf: {  	s3 =	sand.u32 $0x4000, s31;
	s1 =	sadd.s32 s1, s30  }
0xc0: {  	s0 =	sor.u32 s3, s0;
	s1 =	sshll.u32 s1, $0x11  }
0xc1: {  	s0 =	sor.u32 s1, s0  }
0xc2: {  	s0 =	sadd.s32 $0x8F2B, s0  }
0xc3: {  	[sflag:s0] =	ssyncadd.remote.s32 $0x1  }
0xc4: {  	_ =	sfence.sel $0xFFFF  }
0xc5: {  	[dreg:$0x0] =	wrdreg $0xFFFFFFFF;
	(pc) =	sbr.abs _section_cstart, $3  }
0xc6: {  	[dreg:$0x1] =	wrdreg $0xFFFFFFFF  }
0xc7: {  	_ =	task.clear_ibuf [dreg:s7], $0x2FFFF;
	_ =	strace $0x9FFFFFFF  }
0xc8: {  	(tm) =	ssettm $0x7FFFFFFF  }
0xc9: {  	_ =	shalt  }
tec
execute0_lowered:
.L_overlay_start_1:
0x0: {  	(tag) =	ssettag $0x1  }
0x1: {  	s1 =	srdreg.scid  }
0x2: {  	s5 =	sand.u32 $0x1, s1;
	s1 =	stileid.u32  }
0x3: {  	s6 =	sshll.u32 s5, $0x4;
	s7 =	ssub.s32 $0x0, s1  }
0x4: {  	p0 =	sne.s32 s6, s7  }
.Ltmp0:
0x5: {  	_ = 	snop;
	(pc) =	sbr.rel @p0 .LBB2_4-.Ltmp0, $4  }
0x6: {  	s4 =	rddreg [dreg:$0x0]  }
0x7: {  	s2 =	rddreg [dreg:$0x1];
	s3 =	simm.s32 $0x0  }
0x8: {  	[smem:$0x7FF] =	sst s3  }
0x9: {  	s0 =	rddreg [dreg:$0x2];
	_ =	strace $0x80000047  }
0xa: {  	s4 =	sadd.s32 $0xE00, s4;
	s6 =	ssub.s32 $0x2, s5  }
0xb: {  	[tilespmem:s3], [sflag:$0x1] =	stream.linear.gather [hbm4b:s4+s3], $0x1000, $0x38;
	[tilespmem:$0x1000] =	vst v63  }
0xc: {  	s7 =	sshrl.u32 s6, $0x1  }
0xd: {  	s6 =	ssub.s32 s6, s7  }
0xe: {  	s5 =	simm.s32 $0x1;
	s6 =	smax.u32 s6, $0x1  }
0xf: {  	_ =	swait.ge [sflag:s5], $0x1000;
	p0 =	sne.s32 s6, $0x1  }
.Ltmp1:
0x10: {  	[sflag:s5] =	ssyncset.done $0x0;
	(pc) =	sbr.rel @!p0 .LBB2_3-.Ltmp1, $4  }
0x11: {  	[sflag:s5] =	ssyncadd.s32 $0xFFFFF000  }
0x12: {  	[hbm4b:s2+s3] =	stream.linear.scatter [tilespmem:s3], [sflag:$0x1], $0x1000, $0x38;
	[tilespmem:$0x1000] =	vst v63  }
0x13: {  	_ =	swait.ge [sflag:s5], $0x1000  }
0x14: {  	s6 =	sadd.s32 $0xFFFFFFFF, s6;
	[sflag:s5] =	ssyncset.done $0x0  }
.LBB2_2:
0x15: {  	p0 =	sne.s32 s6, $0x1;
	s6 =	sadd.s32 $0xFFFFFFFF, s6;
	[sflag:s5] =	ssyncadd.s32 $0xFFFFF000  }
0x16: {  	[tilespmem:s3], [sflag:$0x1] =	stream.linear.gather [hbm4b:s4+s3], $0x1000, $0x38;
	[tilespmem:$0x1000] =	vst v63  }
0x17: {  	_ =	swait.ge [sflag:s5], $0x1000  }
.Ltmp2:
0x18: {  	[sflag:s5] =	ssyncset.done $0x0;
	(pc) =	sbr.rel @p0 .LBB2_2-.Ltmp2, $4  }
0x19: {  	[sflag:s5] =	ssyncadd.s32 $0xFFFFF000  }
0x1a: {  	[hbm4b:s2+s3] =	stream.linear.scatter [tilespmem:s3], [sflag:$0x1], $0x1000, $0x38;
	[tilespmem:$0x1000] =	vst v63  }
0x1b: {  	_ =	swait.ge [sflag:s5], $0x1000  }
0x1c: {  	[sflag:s5] =	ssyncset.done $0x0  }
.LBB2_3:
0x1d: {  	[sflag:s5] =	ssyncadd.s32 $0xFFFFF000  }
.LBB2_4:
0x1e: {  	_ =	sfence.sel $0x180000  }
0x1f: {  	[bflag:$0x0] =	sbarrier.arrive $0xFFFF  }
0x20: {  	p0 =	sne.s32 s1, $0x0;
	_ =	strace $0x90000047  }
0x21: {  	s0 =	sadd.s32 @!p0 $0x100000, s0;
	[bflag:$0x2] =	sbarrier.arrive $0xFFFF  }
0x22: {  	[sflag:s0] =	ssyncadd.tile.s32 @!p0 $0x1;
	_ =	shalt  }
.Lfunc_end2:
_tile_overlayer_lowered:
.L_overlay_start_2:
0x23: {  	(tag) =	ssettag $0x2  }
0x24: {  	s0 =	rddreg [dreg:$0x0];
	s2 =	stileid.u32  }
0x25: {  	s1 =	rddreg [dreg:$0x1];
	p0 =	sne.s32 s2, $0x0  }
0x26: {  	s3 =	rddreg [dreg:$0x2];
	[bflag:$0x3] =	sbarrier.arrive $0xFFFF;
	s2 =	simm.s32 @!p0 $0x1C01  }
0x27: {  	[timem:s3], [sflag:s2] =	dma.local @!p0 [hbm:s0], s1  }
0x28: {  	s0 =	simm.s32 @!p0 $0x1  }
0x29: {  	_ =	swait.ge @!p0 [sflag:s0], s1  }
0x2a: {  	s1 =	ssub.s32 @!p0 $0x0, s1;
	[sflag:s0] =	ssyncset.done @!p0 $0x0  }
0x2b: {  	[sflag:s0] =	ssyncadd.s32 @!p0 s1  }
0x2c: {  	[bflag:$0x3] =	sbarrier.arrive $0xFFFF  }
0x2d: {  	_ =	shalt  }

</sc_bundles>
